<compile_context>
chip_gen: v7x
topology: tpu7x:2x2x1
jax: 0.10.2.dev20260603
libtpu: 0.0.44.dev20260713+nightly
codegen_flags: <defaults>
</compile_context>

<pallas_src>
import functools

import jax
import jax.numpy as jnp
from jax import lax
from jax.experimental import pallas as pl
from jax.experimental.pallas import tpu as pltpu
from jax.experimental.pallas import tpu_sc as plsc
from jax._src.pallas import mpmd as _mpmd

B = 128
D = 768
POOL = 8192
PLEN = 8
HALF = (PLEN // 2) * D
KB = 2048
NKB = POOL // KB


def _pool_body(q_ref, k_ref, idx_ref, loss_ref, qn_scr, runmax_scr,
               runidx_scr, selcs_scr):
    i = pl.program_id(0)

    @pl.when(i == 0)
    def _init():
        q = q_ref[...]
        qn = jnp.sqrt(jnp.sum(q * q, axis=1, keepdims=True))
        qn_scr[...] = (q / jnp.maximum(qn, 1e-12)).astype(jnp.bfloat16)
        runmax_scr[...] = jnp.full((B, 1), -jnp.inf, dtype=jnp.float32)
        runidx_scr[...] = jnp.zeros((B, 1), jnp.int32)
        selcs_scr[...] = jnp.zeros((B, 1), jnp.float32)

    def _block(k_ref, off):
        k = k_ref[...]
        kn = jnp.sqrt(jnp.sum(k * k, axis=1, keepdims=True))
        nk = (k / jnp.maximum(kn, 1e-12)).astype(jnp.bfloat16)
        cos = lax.dot_general(qn_scr[...], nk, (((1,), (1,)), ((), ())),
                              preferred_element_type=jnp.float32)
        bm = jnp.max(cos, axis=1, keepdims=True)
        cols = lax.broadcasted_iota(jnp.int32, (B, KB), 1)
        barg = jnp.min(jnp.where(cos == bm, cols, jnp.int32(2**30)),
                       axis=1, keepdims=True)
        colsum = jnp.sum(cos, axis=0, keepdims=True)
        scs = jnp.sum(jnp.where(cols == barg, colsum, 0.0),
                      axis=1, keepdims=True)
        upd = bm > runmax_scr[...]
        runidx_scr[...] = jnp.where(upd, barg + off, runidx_scr[...])
        runmax_scr[...] = jnp.where(upd, bm, runmax_scr[...])
        selcs_scr[...] = jnp.where(upd, scs, selcs_scr[...])

    _block(k_ref, i * KB)

    @pl.when(i == NKB - 1)
    def _fin():
        idx2d = runidx_scr[...].reshape(B // 4, 4)
        idx_ref[...] = jnp.concatenate(
            [idx2d, jnp.zeros((B // 4, 12), jnp.int32)], axis=1)
        loss_ref[...] = 1.0 - jnp.sum(selcs_scr[...], axis=(0, 1),
                                      keepdims=True) / (B * B)


def _topk_pool(q, keys):
    return pl.pallas_call(
        _pool_body,
        grid=(NKB,),
        in_specs=[
            pl.BlockSpec((B, D), lambda i: (0, 0)),
            pl.BlockSpec((KB, D), lambda i: (i, 0)),
        ],
        out_specs=[
            pl.BlockSpec((B // 4, 16), lambda i: (0, 0)),
            pl.BlockSpec((1, 1), lambda i: (0, 0)),
        ],
        out_shape=[
            jax.ShapeDtypeStruct((B // 4, 16), jnp.int32),
            jax.ShapeDtypeStruct((1, 1), jnp.float32),
        ],
        scratch_shapes=[
            pltpu.VMEM((B, D), jnp.bfloat16),
            pltpu.VMEM((B, 1), jnp.float32),
            pltpu.VMEM((B, 1), jnp.int32),
            pltpu.VMEM((B, 1), jnp.float32),
        ],
    )(q, keys)


def _sc_gather_chain(ep2, ep3, ep4, gp0, gp1, i2p, i3p, i4p):
    info = plsc.get_sparse_core_info()
    nc, ns = info.num_cores, info.num_subcores
    nw = nc * ns
    bpw = B // nw
    hp = PLEN // 2

    mesh = plsc.VectorSubcoreMesh(core_axis_name="c", subcore_axis_name="s")
    out_sds = jax.ShapeDtypeStruct((5, 2, B, hp, D), jnp.float32)

    def _worker():
        wid = lax.axis_index("s") * nc + lax.axis_index("c")
        return wid, wid * bpw

    def _body_a(ep_h, gp0_h, gp1_h, ixp_h, out_h, i16, r, g0, g1,
                semg, semw):
        wid, base = _worker()
        pltpu.sync_copy(ixp_h.at[wid], i16)
        c = pltpu.async_copy(ep_h.at[i16.at[pl.ds(0, bpw)]], r, semg)
        pltpu.sync_copy(gp0_h, g0)
        pltpu.sync_copy(gp1_h, g1)
        writes = []
        for li, g in ((0, g0), (1, g1)):
            for h in (0, 1):
                for j in range(bpw):
                    writes.append(pltpu.async_copy(
                        g.at[pl.ds(hp * h, hp)],
                        out_h.at[li, h, base + j], semw))
        c.wait()
        for h in (0, 1):
            writes.append(pltpu.async_copy(
                r.at[:, pl.ds(hp * h, hp), :],
                out_h.at[2, h, pl.ds(base, bpw)], semw))
        for w in writes:
            w.wait()

    def _mk_body_pool(li):
        def _body(ep_h, ixp_h, prev_h, out_h, i16, r, semg, semw):
            del prev_h
            wid, base = _worker()
            pltpu.sync_copy(ixp_h.at[wid], i16)
            c = pltpu.async_copy(ep_h.at[i16.at[pl.ds(0, bpw)]], r, semg)
            c.wait()
            w0 = pltpu.async_copy(r.at[:, pl.ds(0, hp), :],
                                  out_h.at[li, 0, pl.ds(base, bpw)], semw)
            w1 = pltpu.async_copy(r.at[:, pl.ds(hp, hp), :],
                                  out_h.at[li, 1, pl.ds(base, bpw)], semw)
            w0.wait()
            w1.wait()
        return _body

    call_a = _mpmd._mpmd_map(
        [(mesh, _body_a)],
        out_sds,
        scratch_types=[
            pltpu.VMEM((16,), jnp.int32),
            pltpu.VMEM((bpw, PLEN, D), jnp.float32),
            pltpu.VMEM((PLEN, D), jnp.float32),
            pltpu.VMEM((PLEN, D), jnp.float32),
            pltpu.SemaphoreType.DMA,
            pltpu.SemaphoreType.DMA,
        ],
        name="sc_bcast_pool2",
    )
    out = call_a(ep2, gp0, gp1, i2p)
    for li, ep, ixp in ((3, ep3, i3p), (4, ep4, i4p)):
        call_p = _mpmd._mpmd_map(
            [(mesh, _mk_body_pool(li))],
            out_sds,
            input_output_aliases={2: 0},
            scratch_types=[
                pltpu.VMEM((16,), jnp.int32),
                pltpu.VMEM((bpw, PLEN, D), jnp.float32),
                pltpu.SemaphoreType.DMA,
                pltpu.SemaphoreType.DMA,
            ],
            name=f"sc_pool{li}",
        )
        out = call_p(ep, ixp, out)
    return out


def kernel(query, g_p_0, g_p_1, e_p_2, e_p_3, e_p_4, e_k_2, e_k_3, e_k_4,
           train):
    del train
    idx2, loss2 = _topk_pool(query, e_k_2)
    idx3, loss3 = _topk_pool(query, e_k_3)
    idx4, loss4 = _topk_pool(query, e_k_4)

    prompts = _sc_gather_chain(e_p_2, e_p_3, e_p_4, g_p_0, g_p_1,
                               idx2, idx3, idx4)
    zero = jnp.zeros((2,), jnp.float32)
    losses = jnp.concatenate(
        [zero, loss2.reshape(1), loss3.reshape(1), loss4.reshape(1)])
    return prompts, losses

# --- scband reference (transcript-rebuilt; emitter-appended) ---
"""Pipeline reference for scband-dual-prompt-module-11647951307112 (READ-ONLY COPY).

The authoritative reference and input builder live on the scoring server;
editing this copy changes nothing except your own understanding.
"""

import jax, jax.numpy as jnp
import numpy as np

B = 128
KEY_D = 768
EMB_D = 768
POOL = 8192
G_P_LEN = 8
E_P_LEN = 8


def _normalize(x, axis):
    n = jnp.linalg.norm(x, axis=axis, keepdims=True)
    return x / jnp.maximum(n, 1e-12)


def setup_inputs(seed: int = 0) -> dict:
    key = jax.random.key(seed)
    ks = jax.random.split(key, 12)
    inp = {}
    inp["query"] = jax.random.normal(ks[0], (B, KEY_D), dtype=jnp.float32)
    inp["g_p_0"] = jax.random.normal(ks[1], (G_P_LEN, EMB_D), dtype=jnp.float32)
    inp["g_p_1"] = jax.random.normal(ks[2], (G_P_LEN, EMB_D), dtype=jnp.float32)
    inp["e_p_2"] = jax.random.normal(ks[3], (POOL, E_P_LEN, EMB_D), dtype=jnp.float32)
    inp["e_p_3"] = jax.random.normal(ks[4], (POOL, E_P_LEN, EMB_D), dtype=jnp.float32)
    inp["e_p_4"] = jax.random.normal(ks[5], (POOL, E_P_LEN, EMB_D), dtype=jnp.float32)
    inp["e_k_2"] = jax.random.normal(ks[6], (POOL, KEY_D), dtype=jnp.float32)
    inp["e_k_3"] = jax.random.normal(ks[7], (POOL, KEY_D), dtype=jnp.float32)
    inp["e_k_4"] = jax.random.normal(ks[8], (POOL, KEY_D), dtype=jnp.float32)
    inp["train"] = 0
    return inp


def reference(query, g_p_0, g_p_1, e_p_2, e_p_3, e_p_4, e_k_2, e_k_3, e_k_4, train):
    e_ps = {2: e_p_2, 3: e_p_3, 4: e_p_4}
    e_ks = {2: e_k_2, 3: e_k_3, 4: e_k_4}
    g_ps = {0: g_p_0, 1: g_p_1}
    Bq = query.shape[0]
    # query is normalized then detached in the torch module
    q = jax.lax.stop_gradient(_normalize(query, 1))
    prompts = []
    losses = []
    e_qk_loss = jnp.asarray(0.0, dtype=jnp.float32)
    for l in [0, 1, 2, 3, 4]:
        if l in (2, 3, 4):
            n_K = _normalize(e_ks[l], 1)
            cos_sim = jnp.einsum('bj,kj->bk', q, n_K)
            # eval path (train == 0): top-1 prompt selected from the pool
            _, top_1 = jax.lax.top_k(cos_sim, 1)  # [B, 1]
            e_qk_loss = (1.0 - cos_sim[:, top_1]).sum(axis=-1).mean()
            selected_P = jnp.take(e_ps[l], top_1, axis=0)[:, 0]  # [B, E_P_LEN, EMB_D]
            i = E_P_LEN // 2
            Pk = selected_P[:, :i, :].reshape(Bq, -1, EMB_D)
            Pv = selected_P[:, i:, :].reshape(Bq, -1, EMB_D)
        else:
            G_P = jnp.broadcast_to(g_ps[l][None, :, :], (Bq, G_P_LEN, EMB_D))
            j = G_P_LEN // 2
            Pk = G_P[:, :j, :]
            Pv = G_P[:, j:, :]
        prompts.append(jnp.stack([Pk, Pv], axis=0))
        losses.append(jnp.asarray(e_qk_loss, dtype=jnp.float32))
    # all prefix chunks share shape [B, 4, EMB_D] since g_p_length == e_p_length
    return jnp.stack(prompts, axis=0), jnp.stack(losses, axis=0)

if __name__ == "__main__":
    import jax
    _d = setup_inputs()
    print(jax.jit(kernel)(*tuple(_d.values())))

</pallas_src>

<mosaic_0001>
#map = affine_map<(d0, d1) -> (0, 0, 0)>
#map1 = affine_map<(d0, d1) -> (0, 0)>
#map2 = affine_map<(d0, d1) -> (0, 0, 0, 0, 0)>
module attributes {stable_mosaic.version = 14 : i64} {
  func.func @sc_pool3(%arg0: i32, %arg1: i32, %arg2: memref<8192x8x768xf32, #tpu.memory_space<hbm>>, %arg3: memref<32x16xi32, #tpu.memory_space<hbm>>, %arg4: memref<5x2x128x4x768xf32, #tpu.memory_space<hbm>>, %arg5: memref<5x2x128x4x768xf32, #tpu.memory_space<hbm>>, %arg6: memref<16xi32, #tpu.memory_space<vmem>>, %arg7: memref<4x8x768xf32, #tpu.memory_space<vmem>>, %arg8: memref<!tpu.dma_semaphore, #tpu.memory_space<semaphore_mem>>, %arg9: memref<!tpu.dma_semaphore, #tpu.memory_space<semaphore_mem>>) attributes {dimension_semantics = [#tpu.dimension_semantics<core_parallel>, #tpu.dimension_semantics<subcore_parallel>], iteration_bounds = array<i64: 2, 16>, scalar_prefetch = 0 : i64, scratch_operands = 4 : i64, tpu.core_type = #tpu.core_type<sc_vector_subcore>, window_params = [{transform_indices = #map}, {transform_indices = #map1}, {transform_indices = #map2}, {transform_indices = #map2}]} {
    %mul3A = arith.constant 2 : i32
    %mul3A_0 = arith.muli %arg1, %mul3A : i32
    %add3A = arith.addi %mul3A_0, %arg0 : i32
    %mul3A_1 = arith.constant 4 : i32
    %mul3A_2 = arith.muli %add3A, %mul3A_1 : i32
    "tpu.region"() ({
      %run_scoped3A = tpu.sem_alloc : memref<!tpu.dma_semaphore, #tpu.memory_space<semaphore_mem>>
      %dma_start3A_85 = arith.constant 0 : i32
      %dma_start3A_86 = tpu.memref_slice %arg3[%add3A, %dma_start3A_85] : memref<32x16xi32, #tpu.memory_space<hbm>> -> memref<1x16xi32, #tpu.memory_space<hbm>>
      %dma_start3A_87 = tpu.memref_squeeze %dma_start3A_86 : memref<1x16xi32, #tpu.memory_space<hbm>> -> memref<16xi32, #tpu.memory_space<hbm>>
      %dma_start3A_88 = arith.constant 0 : i32
      %dma_start3A_89 = tpu.memref_slice %arg3[%add3A, %dma_start3A_88] : memref<32x16xi32, #tpu.memory_space<hbm>> -> memref<1x16xi32, #tpu.memory_space<hbm>>
      %dma_start3A_90 = tpu.memref_squeeze %dma_start3A_89 : memref<1x16xi32, #tpu.memory_space<hbm>> -> memref<16xi32, #tpu.memory_space<hbm>>
      tpu.enqueue_dma source(%dma_start3A_90 : memref<16xi32, #tpu.memory_space<hbm>>) target(%arg6 : memref<16xi32, #tpu.memory_space<vmem>>) target_semaphore(%run_scoped3A : memref<!tpu.dma_semaphore, #tpu.memory_space<semaphore_mem>>)
      %dma_wait3A_91 = arith.constant 0 : i32
      %dma_wait3A_92 = tpu.memref_slice %arg3[%add3A, %dma_wait3A_91] : memref<32x16xi32, #tpu.memory_space<hbm>> -> memref<1x16xi32, #tpu.memory_space<hbm>>
      %dma_wait3A_93 = tpu.memref_squeeze %dma_wait3A_92 : memref<1x16xi32, #tpu.memory_space<hbm>> -> memref<16xi32, #tpu.memory_space<hbm>>
      %dma_wait3A_94 = arith.constant 0 : i32
      %dma_wait3A_95 = tpu.memref_slice %arg3[%add3A, %dma_wait3A_94] : memref<32x16xi32, #tpu.memory_space<hbm>> -> memref<1x16xi32, #tpu.memory_space<hbm>>
      %dma_wait3A_96 = tpu.memref_squeeze %dma_wait3A_95 : memref<1x16xi32, #tpu.memory_space<hbm>> -> memref<16xi32, #tpu.memory_space<hbm>>
      tpu.wait_dma2 semaphore(%run_scoped3A : memref<!tpu.dma_semaphore, #tpu.memory_space<semaphore_mem>>) src(%dma_wait3A_96 : memref<16xi32, #tpu.memory_space<hbm>>) dst(%arg6 : memref<16xi32, #tpu.memory_space<vmem>>)
      tpu.yield
    }) : () -> ()
    %dma_start3A = arith.constant 0 : i32
    %dma_start3A_3 = tpu.memref_slice %arg6[%dma_start3A] : memref<16xi32, #tpu.memory_space<vmem>> -> memref<4xi32, #tpu.memory_space<vmem>>
    %dma_start3A_4 = arith.constant 0 : i32
    %dma_start3A_5 = arith.constant 0 : i32
    %dma_start3A_6 = arith.constant 0 : i32
    %dma_start3A_7 = tpu.memref_slice %arg2[%dma_start3A_4, %dma_start3A_5, %dma_start3A_6] : memref<8192x8x768xf32, #tpu.memory_space<hbm>> -> memref<8192x8x768xf32, #tpu.memory_space<hbm>>
    tpu.enqueue_indirect_dma source(%dma_start3A_7 : memref<8192x8x768xf32, #tpu.memory_space<hbm>>) target(%arg7 : memref<4x8x768xf32, #tpu.memory_space<vmem>>) offsets(%dma_start3A_3 : memref<4xi32, #tpu.memory_space<vmem>>) semaphore(%arg8 : memref<!tpu.dma_semaphore, #tpu.memory_space<semaphore_mem>>)
    %dma_wait3A = arith.constant 0 : i32
    %dma_wait3A_8 = tpu.memref_slice %arg6[%dma_wait3A] : memref<16xi32, #tpu.memory_space<vmem>> -> memref<4xi32, #tpu.memory_space<vmem>>
    %dma_wait3A_9 = arith.constant 0 : i32
    %dma_wait3A_10 = arith.constant 0 : i32
    %dma_wait3A_11 = arith.constant 0 : i32
    %dma_wait3A_12 = tpu.memref_slice %arg2[%dma_wait3A_9, %dma_wait3A_10, %dma_wait3A_11] : memref<8192x8x768xf32, #tpu.memory_space<hbm>> -> memref<8192x8x768xf32, #tpu.memory_space<hbm>>
    tpu.wait_indirect_dma semaphore(%arg8 : memref<!tpu.dma_semaphore, #tpu.memory_space<semaphore_mem>>) src(%dma_wait3A_12 : memref<8192x8x768xf32, #tpu.memory_space<hbm>>) dst(%arg7 : memref<4x8x768xf32, #tpu.memory_space<vmem>>)
    %dma_start3A_13 = arith.constant 3 : i32
    %dma_start3A_14 = arith.constant 0 : i32
    %dma_start3A_15 = arith.constant 0 : i32
    %dma_start3A_16 = arith.constant 0 : i32
    %dma_start3A_17 = arith.constant 0 : i32
    %dma_start3A_18 = tpu.memref_slice %arg7[%dma_start3A_15, %dma_start3A_16, %dma_start3A_17] : memref<4x8x768xf32, #tpu.memory_space<vmem>> -> memref<4x4x768xf32, #tpu.memory_space<vmem>>
    %dma_start3A_19 = arith.constant 0 : i32
    %dma_start3A_20 = arith.constant 0 : i32
    %dma_start3A_21 = tpu.memref_slice %arg5[%dma_start3A_13, %dma_start3A_14, %mul3A_2, %dma_start3A_19, %dma_start3A_20] : memref<5x2x128x4x768xf32, #tpu.memory_space<hbm>> -> memref<1x1x4x4x768xf32, #tpu.memory_space<hbm>>
    %dma_start3A_22 = tpu.memref_squeeze %dma_start3A_21 : memref<1x1x4x4x768xf32, #tpu.memory_space<hbm>> -> memref<4x4x768xf32, #tpu.memory_space<hbm>>
    %dma_start3A_23 = arith.constant 0 : i32
    %dma_start3A_24 = arith.constant 0 : i32
    %dma_start3A_25 = tpu.memref_slice %arg5[%dma_start3A_13, %dma_start3A_14, %mul3A_2, %dma_start3A_23, %dma_start3A_24] : memref<5x2x128x4x768xf32, #tpu.memory_space<hbm>> -> memref<1x1x4x4x768xf32, #tpu.memory_space<hbm>>
    %dma_start3A_26 = tpu.memref_squeeze %dma_start3A_25 : memref<1x1x4x4x768xf32, #tpu.memory_space<hbm>> -> memref<4x4x768xf32, #tpu.memory_space<hbm>>
    %dma_start3A_27 = arith.constant 0 : i32
    %dma_start3A_28 = arith.constant 0 : i32
    %dma_start3A_29 = arith.constant 0 : i32
    %dma_start3A_30 = tpu.memref_slice %arg7[%dma_start3A_27, %dma_start3A_28, %dma_start3A_29] : memref<4x8x768xf32, #tpu.memory_space<vmem>> -> memref<4x4x768xf32, #tpu.memory_space<vmem>>
    tpu.enqueue_dma source(%dma_start3A_30 : memref<4x4x768xf32, #tpu.memory_space<vmem>>) target(%dma_start3A_26 : memref<4x4x768xf32, #tpu.memory_space<hbm>>) target_semaphore(%arg9 : memref<!tpu.dma_semaphore, #tpu.memory_space<semaphore_mem>>)
    %dma_start3A_31 = arith.constant 3 : i32
    %dma_start3A_32 = arith.constant 1 : i32
    %dma_start3A_33 = arith.constant 0 : i32
    %dma_start3A_34 = arith.constant 4 : i32
    %dma_start3A_35 = arith.constant 0 : i32
    %dma_start3A_36 = tpu.memref_slice %arg7[%dma_start3A_33, %dma_start3A_34, %dma_start3A_35] : memref<4x8x768xf32, #tpu.memory_space<vmem>> -> memref<4x4x768xf32, #tpu.memory_space<vmem>>
    %dma_start3A_37 = arith.constant 0 : i32
    %dma_start3A_38 = arith.constant 0 : i32
    %dma_start3A_39 = tpu.memref_slice %arg5[%dma_start3A_31, %dma_start3A_32, %mul3A_2, %dma_start3A_37, %dma_start3A_38] : memref<5x2x128x4x768xf32, #tpu.memory_space<hbm>> -> memref<1x1x4x4x768xf32, #tpu.memory_space<hbm>>
    %dma_start3A_40 = tpu.memref_squeeze %dma_start3A_39 : memref<1x1x4x4x768xf32, #tpu.memory_space<hbm>> -> memref<4x4x768xf32, #tpu.memory_space<hbm>>
    %dma_start3A_41 = arith.constant 0 : i32
    %dma_start3A_42 = arith.constant 0 : i32
    %dma_start3A_43 = tpu.memref_slice %arg5[%dma_start3A_31, %dma_start3A_32, %mul3A_2, %dma_start3A_41, %dma_start3A_42] : memref<5x2x128x4x768xf32, #tpu.memory_space<hbm>> -> memref<1x1x4x4x768xf32, #tpu.memory_space<hbm>>
    %dma_start3A_44 = tpu.memref_squeeze %dma_start3A_43 : memref<1x1x4x4x768xf32, #tpu.memory_space<hbm>> -> memref<4x4x768xf32, #tpu.memory_space<hbm>>
    %dma_start3A_45 = arith.constant 0 : i32
    %dma_start3A_46 = arith.constant 4 : i32
    %dma_start3A_47 = arith.constant 0 : i32
    %dma_start3A_48 = tpu.memref_slice %arg7[%dma_start3A_45, %dma_start3A_46, %dma_start3A_47] : memref<4x8x768xf32, #tpu.memory_space<vmem>> -> memref<4x4x768xf32, #tpu.memory_space<vmem>>
    tpu.enqueue_dma source(%dma_start3A_48 : memref<4x4x768xf32, #tpu.memory_space<vmem>>) target(%dma_start3A_44 : memref<4x4x768xf32, #tpu.memory_space<hbm>>) target_semaphore(%arg9 : memref<!tpu.dma_semaphore, #tpu.memory_space<semaphore_mem>>)
    %dma_wait3A_49 = arith.constant 3 : i32
    %dma_wait3A_50 = arith.constant 0 : i32
    %dma_wait3A_51 = arith.constant 0 : i32
    %dma_wait3A_52 = arith.constant 0 : i32
    %dma_wait3A_53 = arith.constant 0 : i32
    %dma_wait3A_54 = tpu.memref_slice %arg7[%dma_wait3A_51, %dma_wait3A_52, %dma_wait3A_53] : memref<4x8x768xf32, #tpu.memory_space<vmem>> -> memref<4x4x768xf32, #tpu.memory_space<vmem>>
    %dma_wait3A_55 = arith.constant 0 : i32
    %dma_wait3A_56 = arith.constant 0 : i32
    %dma_wait3A_57 = tpu.memref_slice %arg5[%dma_wait3A_49, %dma_wait3A_50, %mul3A_2, %dma_wait3A_55, %dma_wait3A_56] : memref<5x2x128x4x768xf32, #tpu.memory_space<hbm>> -> memref<1x1x4x4x768xf32, #tpu.memory_space<hbm>>
    %dma_wait3A_58 = tpu.memref_squeeze %dma_wait3A_57 : memref<1x1x4x4x768xf32, #tpu.memory_space<hbm>> -> memref<4x4x768xf32, #tpu.memory_space<hbm>>
    %dma_wait3A_59 = arith.constant 0 : i32
    %dma_wait3A_60 = arith.constant 0 : i32
    %dma_wait3A_61 = tpu.memref_slice %arg5[%dma_wait3A_49, %dma_wait3A_50, %mul3A_2, %dma_wait3A_59, %dma_wait3A_60] : memref<5x2x128x4x768xf32, #tpu.memory_space<hbm>> -> memref<1x1x4x4x768xf32, #tpu.memory_space<hbm>>
    %dma_wait3A_62 = tpu.memref_squeeze %dma_wait3A_61 : memref<1x1x4x4x768xf32, #tpu.memory_space<hbm>> -> memref<4x4x768xf32, #tpu.memory_space<hbm>>
    %dma_wait3A_63 = arith.constant 0 : i32
    %dma_wait3A_64 = arith.constant 0 : i32
    %dma_wait3A_65 = arith.constant 0 : i32
    %dma_wait3A_66 = tpu.memref_slice %arg7[%dma_wait3A_63, %dma_wait3A_64, %dma_wait3A_65] : memref<4x8x768xf32, #tpu.memory_space<vmem>> -> memref<4x4x768xf32, #tpu.memory_space<vmem>>
    tpu.wait_dma2 semaphore(%arg9 : memref<!tpu.dma_semaphore, #tpu.memory_space<semaphore_mem>>) src(%dma_wait3A_66 : memref<4x4x768xf32, #tpu.memory_space<vmem>>) dst(%dma_wait3A_62 : memref<4x4x768xf32, #tpu.memory_space<hbm>>)
    %dma_wait3A_67 = arith.constant 3 : i32
    %dma_wait3A_68 = arith.constant 1 : i32
    %dma_wait3A_69 = arith.constant 0 : i32
    %dma_wait3A_70 = arith.constant 4 : i32
    %dma_wait3A_71 = arith.constant 0 : i32
    %dma_wait3A_72 = tpu.memref_slice %arg7[%dma_wait3A_69, %dma_wait3A_70, %dma_wait3A_71] : memref<4x8x768xf32, #tpu.memory_space<vmem>> -> memref<4x4x768xf32, #tpu.memory_space<vmem>>
    %dma_wait3A_73 = arith.constant 0 : i32
    %dma_wait3A_74 = arith.constant 0 : i32
    %dma_wait3A_75 = tpu.memref_slice %arg5[%dma_wait3A_67, %dma_wait3A_68, %mul3A_2, %dma_wait3A_73, %dma_wait3A_74] : memref<5x2x128x4x768xf32, #tpu.memory_space<hbm>> -> memref<1x1x4x4x768xf32, #tpu.memory_space<hbm>>
    %dma_wait3A_76 = tpu.memref_squeeze %dma_wait3A_75 : memref<1x1x4x4x768xf32, #tpu.memory_space<hbm>> -> memref<4x4x768xf32, #tpu.memory_space<hbm>>
    %dma_wait3A_77 = arith.constant 0 : i32
    %dma_wait3A_78 = arith.constant 0 : i32
    %dma_wait3A_79 = tpu.memref_slice %arg5[%dma_wait3A_67, %dma_wait3A_68, %mul3A_2, %dma_wait3A_77, %dma_wait3A_78] : memref<5x2x128x4x768xf32, #tpu.memory_space<hbm>> -> memref<1x1x4x4x768xf32, #tpu.memory_space<hbm>>
    %dma_wait3A_80 = tpu.memref_squeeze %dma_wait3A_79 : memref<1x1x4x4x768xf32, #tpu.memory_space<hbm>> -> memref<4x4x768xf32, #tpu.memory_space<hbm>>
    %dma_wait3A_81 = arith.constant 0 : i32
    %dma_wait3A_82 = arith.constant 4 : i32
    %dma_wait3A_83 = arith.constant 0 : i32
    %dma_wait3A_84 = tpu.memref_slice %arg7[%dma_wait3A_81, %dma_wait3A_82, %dma_wait3A_83] : memref<4x8x768xf32, #tpu.memory_space<vmem>> -> memref<4x4x768xf32, #tpu.memory_space<vmem>>
    tpu.wait_dma2 semaphore(%arg9 : memref<!tpu.dma_semaphore, #tpu.memory_space<semaphore_mem>>) src(%dma_wait3A_84 : memref<4x4x768xf32, #tpu.memory_space<vmem>>) dst(%dma_wait3A_80 : memref<4x4x768xf32, #tpu.memory_space<hbm>>)
    return
  }
}

#map = affine_map<(d0, d1) -> (0, 0, 0)>
#map1 = affine_map<(d0, d1) -> (0, 0)>
#map2 = affine_map<(d0, d1) -> (0, 0, 0, 0, 0)>
module attributes {stable_mosaic.version = 14 : i64} {
  func.func @sc_bcast_pool2(%arg0: i32, %arg1: i32, %arg2: memref<8192x8x768xf32, #tpu.memory_space<hbm>>, %arg3: memref<8x768xf32, #tpu.memory_space<hbm>>, %arg4: memref<8x768xf32, #tpu.memory_space<hbm>>, %arg5: memref<32x16xi32, #tpu.memory_space<hbm>>, %arg6: memref<5x2x128x4x768xf32, #tpu.memory_space<hbm>>, %arg7: memref<16xi32, #tpu.memory_space<vmem>>, %arg8: memref<4x8x768xf32, #tpu.memory_space<vmem>>, %arg9: memref<8x768xf32, #tpu.memory_space<vmem>>, %arg10: memref<8x768xf32, #tpu.memory_space<vmem>>, %arg11: memref<!tpu.dma_semaphore, #tpu.memory_space<semaphore_mem>>, %arg12: memref<!tpu.dma_semaphore, #tpu.memory_space<semaphore_mem>>) attributes {dimension_semantics = [#tpu.dimension_semantics<core_parallel>, #tpu.dimension_semantics<subcore_parallel>], iteration_bounds = array<i64: 2, 16>, scalar_prefetch = 0 : i64, scratch_operands = 6 : i64, tpu.core_type = #tpu.core_type<sc_vector_subcore>, window_params = [{transform_indices = #map}, {transform_indices = #map1}, {transform_indices = #map1}, {transform_indices = #map1}, {transform_indices = #map2}]} {
    %mul3A = arith.constant 2 : i32
    %mul3A_0 = arith.muli %arg1, %mul3A : i32
    %add3A = arith.addi %mul3A_0, %arg0 : i32
    %mul3A_1 = arith.constant 4 : i32
    %mul3A_2 = arith.muli %add3A, %mul3A_1 : i32
    "tpu.region"() ({
      %run_scoped3A = tpu.sem_alloc : memref<!tpu.dma_semaphore, #tpu.memory_space<semaphore_mem>>
      %dma_start3A_629 = arith.constant 0 : i32
      %dma_start3A_630 = tpu.memref_slice %arg5[%add3A, %dma_start3A_629] : memref<32x16xi32, #tpu.memory_space<hbm>> -> memref<1x16xi32, #tpu.memory_space<hbm>>
      %dma_start3A_631 = tpu.memref_squeeze %dma_start3A_630 : memref<1x16xi32, #tpu.memory_space<hbm>> -> memref<16xi32, #tpu.memory_space<hbm>>
      %dma_start3A_632 = arith.constant 0 : i32
      %dma_start3A_633 = tpu.memref_slice %arg5[%add3A, %dma_start3A_632] : memref<32x16xi32, #tpu.memory_space<hbm>> -> memref<1x16xi32, #tpu.memory_space<hbm>>
      %dma_start3A_634 = tpu.memref_squeeze %dma_start3A_633 : memref<1x16xi32, #tpu.memory_space<hbm>> -> memref<16xi32, #tpu.memory_space<hbm>>
      tpu.enqueue_dma source(%dma_start3A_634 : memref<16xi32, #tpu.memory_space<hbm>>) target(%arg7 : memref<16xi32, #tpu.memory_space<vmem>>) target_semaphore(%run_scoped3A : memref<!tpu.dma_semaphore, #tpu.memory_space<semaphore_mem>>)
      %dma_wait3A_635 = arith.constant 0 : i32
      %dma_wait3A_636 = tpu.memref_slice %arg5[%add3A, %dma_wait3A_635] : memref<32x16xi32, #tpu.memory_space<hbm>> -> memref<1x16xi32, #tpu.memory_space<hbm>>
      %dma_wait3A_637 = tpu.memref_squeeze %dma_wait3A_636 : memref<1x16xi32, #tpu.memory_space<hbm>> -> memref<16xi32, #tpu.memory_space<hbm>>
      %dma_wait3A_638 = arith.constant 0 : i32
      %dma_wait3A_639 = tpu.memref_slice %arg5[%add3A, %dma_wait3A_638] : memref<32x16xi32, #tpu.memory_space<hbm>> -> memref<1x16xi32, #tpu.memory_space<hbm>>
      %dma_wait3A_640 = tpu.memref_squeeze %dma_wait3A_639 : memref<1x16xi32, #tpu.memory_space<hbm>> -> memref<16xi32, #tpu.memory_space<hbm>>
      tpu.wait_dma2 semaphore(%run_scoped3A : memref<!tpu.dma_semaphore, #tpu.memory_space<semaphore_mem>>) src(%dma_wait3A_640 : memref<16xi32, #tpu.memory_space<hbm>>) dst(%arg7 : memref<16xi32, #tpu.memory_space<vmem>>)
      tpu.yield
    }) : () -> ()
    %dma_start3A = arith.constant 0 : i32
    %dma_start3A_3 = tpu.memref_slice %arg7[%dma_start3A] : memref<16xi32, #tpu.memory_space<vmem>> -> memref<4xi32, #tpu.memory_space<vmem>>
    %dma_start3A_4 = arith.constant 0 : i32
    %dma_start3A_5 = arith.constant 0 : i32
    %dma_start3A_6 = arith.constant 0 : i32
    %dma_start3A_7 = tpu.memref_slice %arg2[%dma_start3A_4, %dma_start3A_5, %dma_start3A_6] : memref<8192x8x768xf32, #tpu.memory_space<hbm>> -> memref<8192x8x768xf32, #tpu.memory_space<hbm>>
    tpu.enqueue_indirect_dma source(%dma_start3A_7 : memref<8192x8x768xf32, #tpu.memory_space<hbm>>) target(%arg8 : memref<4x8x768xf32, #tpu.memory_space<vmem>>) offsets(%dma_start3A_3 : memref<4xi32, #tpu.memory_space<vmem>>) semaphore(%arg11 : memref<!tpu.dma_semaphore, #tpu.memory_space<semaphore_mem>>)
    "tpu.region"() ({
      %run_scoped3A = tpu.sem_alloc : memref<!tpu.dma_semaphore, #tpu.memory_space<semaphore_mem>>
      tpu.enqueue_dma source(%arg3 : memref<8x768xf32, #tpu.memory_space<hbm>>) target(%arg9 : memref<8x768xf32, #tpu.memory_space<vmem>>) target_semaphore(%run_scoped3A : memref<!tpu.dma_semaphore, #tpu.memory_space<semaphore_mem>>)
      tpu.wait_dma2 semaphore(%run_scoped3A : memref<!tpu.dma_semaphore, #tpu.memory_space<semaphore_mem>>) src(%arg3 : memref<8x768xf32, #tpu.memory_space<hbm>>) dst(%arg9 : memref<8x768xf32, #tpu.memory_space<vmem>>)
      tpu.yield
    }) : () -> ()
    "tpu.region"() ({
      %run_scoped3A = tpu.sem_alloc : memref<!tpu.dma_semaphore, #tpu.memory_space<semaphore_mem>>
      tpu.enqueue_dma source(%arg4 : memref<8x768xf32, #tpu.memory_space<hbm>>) target(%arg10 : memref<8x768xf32, #tpu.memory_space<vmem>>) target_semaphore(%run_scoped3A : memref<!tpu.dma_semaphore, #tpu.memory_space<semaphore_mem>>)
      tpu.wait_dma2 semaphore(%run_scoped3A : memref<!tpu.dma_semaphore, #tpu.memory_space<semaphore_mem>>) src(%arg4 : memref<8x768xf32, #tpu.memory_space<hbm>>) dst(%arg10 : memref<8x768xf32, #tpu.memory_space<vmem>>)
      tpu.yield
    }) : () -> ()
    %add3A_8 = arith.constant 0 : i32
    %add3A_9 = arith.addi %mul3A_2, %add3A_8 : i32
    %dma_start3A_10 = arith.constant 0 : i32
    %dma_start3A_11 = arith.constant 0 : i32
    %dma_start3A_12 = arith.constant 0 : i32
    %dma_start3A_13 = arith.constant 0 : i32
    %dma_start3A_14 = tpu.memref_slice %arg9[%dma_start3A_12, %dma_start3A_13] : memref<8x768xf32, #tpu.memory_space<vmem>> -> memref<4x768xf32, #tpu.memory_space<vmem>>
    %dma_start3A_15 = arith.constant 0 : i32
    %dma_start3A_16 = arith.constant 0 : i32
    %dma_start3A_17 = tpu.memref_slice %arg6[%dma_start3A_10, %dma_start3A_11, %add3A_9, %dma_start3A_15, %dma_start3A_16] : memref<5x2x128x4x768xf32, #tpu.memory_space<hbm>> -> memref<1x1x1x4x768xf32, #tpu.memory_space<hbm>>
    %dma_start3A_18 = tpu.memref_squeeze %dma_start3A_17 : memref<1x1x1x4x768xf32, #tpu.memory_space<hbm>> -> memref<4x768xf32, #tpu.memory_space<hbm>>
    %dma_start3A_19 = arith.constant 0 : i32
    %dma_start3A_20 = arith.constant 0 : i32
    %dma_start3A_21 = tpu.memref_slice %arg6[%dma_start3A_10, %dma_start3A_11, %add3A_9, %dma_start3A_19, %dma_start3A_20] : memref<5x2x128x4x768xf32, #tpu.memory_space<hbm>> -> memref<1x1x1x4x768xf32, #tpu.memory_space<hbm>>
    %dma_start3A_22 = tpu.memref_squeeze %dma_start3A_21 : memref<1x1x1x4x768xf32, #tpu.memory_space<hbm>> -> memref<4x768xf32, #tpu.memory_space<hbm>>
    %dma_start3A_23 = arith.constant 0 : i32
    %dma_start3A_24 = arith.constant 0 : i32
    %dma_start3A_25 = tpu.memref_slice %arg9[%dma_start3A_23, %dma_start3A_24] : memref<8x768xf32, #tpu.memory_space<vmem>> -> memref<4x768xf32, #tpu.memory_space<vmem>>
    tpu.enqueue_dma source(%dma_start3A_25 : memref<4x768xf32, #tpu.memory_space<vmem>>) target(%dma_start3A_22 : memref<4x768xf32, #tpu.memory_space<hbm>>) target_semaphore(%arg12 : memref<!tpu.dma_semaphore, #tpu.memory_space<semaphore_mem>>)
    %add3A_26 = arith.constant 1 : i32
    %add3A_27 = arith.addi %mul3A_2, %add3A_26 : i32
    %dma_start3A_28 = arith.constant 0 : i32
    %dma_start3A_29 = arith.constant 0 : i32
    %dma_start3A_30 = arith.constant 0 : i32
    %dma_start3A_31 = arith.constant 0 : i32
    %dma_start3A_32 = tpu.memref_slice %arg9[%dma_start3A_30, %dma_start3A_31] : memref<8x768xf32, #tpu.memory_space<vmem>> -> memref<4x768xf32, #tpu.memory_space<vmem>>
    %dma_start3A_33 = arith.constant 0 : i32
    %dma_start3A_34 = arith.constant 0 : i32
    %dma_start3A_35 = tpu.memref_slice %arg6[%dma_start3A_28, %dma_start3A_29, %add3A_27, %dma_start3A_33, %dma_start3A_34] : memref<5x2x128x4x768xf32, #tpu.memory_space<hbm>> -> memref<1x1x1x4x768xf32, #tpu.memory_space<hbm>>
    %dma_start3A_36 = tpu.memref_squeeze %dma_start3A_35 : memref<1x1x1x4x768xf32, #tpu.memory_space<hbm>> -> memref<4x768xf32, #tpu.memory_space<hbm>>
    %dma_start3A_37 = arith.constant 0 : i32
    %dma_start3A_38 = arith.constant 0 : i32
    %dma_start3A_39 = tpu.memref_slice %arg6[%dma_start3A_28, %dma_start3A_29, %add3A_27, %dma_start3A_37, %dma_start3A_38] : memref<5x2x128x4x768xf32, #tpu.memory_space<hbm>> -> memref<1x1x1x4x768xf32, #tpu.memory_space<hbm>>
    %dma_start3A_40 = tpu.memref_squeeze %dma_start3A_39 : memref<1x1x1x4x768xf32, #tpu.memory_space<hbm>> -> memref<4x768xf32, #tpu.memory_space<hbm>>
    %dma_start3A_41 = arith.constant 0 : i32
    %dma_start3A_42 = arith.constant 0 : i32
    %dma_start3A_43 = tpu.memref_slice %arg9[%dma_start3A_41, %dma_start3A_42] : memref<8x768xf32, #tpu.memory_space<vmem>> -> memref<4x768xf32, #tpu.memory_space<vmem>>
    tpu.enqueue_dma source(%dma_start3A_43 : memref<4x768xf32, #tpu.memory_space<vmem>>) target(%dma_start3A_40 : memref<4x768xf32, #tpu.memory_space<hbm>>) target_semaphore(%arg12 : memref<!tpu.dma_semaphore, #tpu.memory_space<semaphore_mem>>)
    %add3A_44 = arith.constant 2 : i32
    %add3A_45 = arith.addi %mul3A_2, %add3A_44 : i32
    %dma_start3A_46 = arith.constant 0 : i32
    %dma_start3A_47 = arith.constant 0 : i32
    %dma_start3A_48 = arith.constant 0 : i32
    %dma_start3A_49 = arith.constant 0 : i32
    %dma_start3A_50 = tpu.memref_slice %arg9[%dma_start3A_48, %dma_start3A_49] : memref<8x768xf32, #tpu.memory_space<vmem>> -> memref<4x768xf32, #tpu.memory_space<vmem>>
    %dma_start3A_51 = arith.constant 0 : i32
    %dma_start3A_52 = arith.constant 0 : i32
    %dma_start3A_53 = tpu.memref_slice %arg6[%dma_start3A_46, %dma_start3A_47, %add3A_45, %dma_start3A_51, %dma_start3A_52] : memref<5x2x128x4x768xf32, #tpu.memory_space<hbm>> -> memref<1x1x1x4x768xf32, #tpu.memory_space<hbm>>
    %dma_start3A_54 = tpu.memref_squeeze %dma_start3A_53 : memref<1x1x1x4x768xf32, #tpu.memory_space<hbm>> -> memref<4x768xf32, #tpu.memory_space<hbm>>
    %dma_start3A_55 = arith.constant 0 : i32
    %dma_start3A_56 = arith.constant 0 : i32
    %dma_start3A_57 = tpu.memref_slice %arg6[%dma_start3A_46, %dma_start3A_47, %add3A_45, %dma_start3A_55, %dma_start3A_56] : memref<5x2x128x4x768xf32, #tpu.memory_space<hbm>> -> memref<1x1x1x4x768xf32, #tpu.memory_space<hbm>>
    %dma_start3A_58 = tpu.memref_squeeze %dma_start3A_57 : memref<1x1x1x4x768xf32, #tpu.memory_space<hbm>> -> memref<4x768xf32, #tpu.memory_space<hbm>>
    %dma_start3A_59 = arith.constant 0 : i32
    %dma_start3A_60 = arith.constant 0 : i32
    %dma_start3A_61 = tpu.memref_slice %arg9[%dma_start3A_59, %dma_start3A_60] : memref<8x768xf32, #tpu.memory_space<vmem>> -> memref<4x768xf32, #tpu.memory_space<vmem>>
    tpu.enqueue_dma source(%dma_start3A_61 : memref<4x768xf32, #tpu.memory_space<vmem>>) target(%dma_start3A_58 : memref<4x768xf32, #tpu.memory_space<hbm>>) target_semaphore(%arg12 : memref<!tpu.dma_semaphore, #tpu.memory_space<semaphore_mem>>)
    %add3A_62 = arith.constant 3 : i32
    %add3A_63 = arith.addi %mul3A_2, %add3A_62 : i32
    %dma_start3A_64 = arith.constant 0 : i32
    %dma_start3A_65 = arith.constant 0 : i32
    %dma_start3A_66 = arith.constant 0 : i32
    %dma_start3A_67 = arith.constant 0 : i32
    %dma_start3A_68 = tpu.memref_slice %arg9[%dma_start3A_66, %dma_start3A_67] : memref<8x768xf32, #tpu.memory_space<vmem>> -> memref<4x768xf32, #tpu.memory_space<vmem>>
    %dma_start3A_69 = arith.constant 0 : i32
    %dma_start3A_70 = arith.constant 0 : i32
    %dma_start3A_71 = tpu.memref_slice %arg6[%dma_start3A_64, %dma_start3A_65, %add3A_63, %dma_start3A_69, %dma_start3A_70] : memref<5x2x128x4x768xf32, #tpu.memory_space<hbm>> -> memref<1x1x1x4x768xf32, #tpu.memory_space<hbm>>
    %dma_start3A_72 = tpu.memref_squeeze %dma_start3A_71 : memref<1x1x1x4x768xf32, #tpu.memory_space<hbm>> -> memref<4x768xf32, #tpu.memory_space<hbm>>
    %dma_start3A_73 = arith.constant 0 : i32
    %dma_start3A_74 = arith.constant 0 : i32
    %dma_start3A_75 = tpu.memref_slice %arg6[%dma_start3A_64, %dma_start3A_65, %add3A_63, %dma_start3A_73, %dma_start3A_74] : memref<5x2x128x4x768xf32, #tpu.memory_space<hbm>> -> memref<1x1x1x4x768xf32, #tpu.memory_space<hbm>>
    %dma_start3A_76 = tpu.memref_squeeze %dma_start3A_75 : memref<1x1x1x4x768xf32, #tpu.memory_space<hbm>> -> memref<4x768xf32, #tpu.memory_space<hbm>>
    %dma_start3A_77 = arith.constant 0 : i32
    %dma_start3A_78 = arith.constant 0 : i32
    %dma_start3A_79 = tpu.memref_slice %arg9[%dma_start3A_77, %dma_start3A_78] : memref<8x768xf32, #tpu.memory_space<vmem>> -> memref<4x768xf32, #tpu.memory_space<vmem>>
    tpu.enqueue_dma source(%dma_start3A_79 : memref<4x768xf32, #tpu.memory_space<vmem>>) target(%dma_start3A_76 : memref<4x768xf32, #tpu.memory_space<hbm>>) target_semaphore(%arg12 : memref<!tpu.dma_semaphore, #tpu.memory_space<semaphore_mem>>)
    %add3A_80 = arith.constant 0 : i32
    %add3A_81 = arith.addi %mul3A_2, %add3A_80 : i32
    %dma_start3A_82 = arith.constant 0 : i32
    %dma_start3A_83 = arith.constant 1 : i32
    %dma_start3A_84 = arith.constant 4 : i32
    %dma_start3A_85 = arith.constant 0 : i32
    %dma_start3A_86 = tpu.memref_slice %arg9[%dma_start3A_84, %dma_start3A_85] : memref<8x768xf32, #tpu.memory_space<vmem>> -> memref<4x768xf32, #tpu.memory_space<vmem>>
    %dma_start3A_87 = arith.constant 0 : i32
    %dma_start3A_88 = arith.constant 0 : i32
    %dma_start3A_89 = tpu.memref_slice %arg6[%dma_start3A_82, %dma_start3A_83, %add3A_81, %dma_start3A_87, %dma_start3A_88] : memref<5x2x128x4x768xf32, #tpu.memory_space<hbm>> -> memref<1x1x1x4x768xf32, #tpu.memory_space<hbm>>
    %dma_start3A_90 = tpu.memref_squeeze %dma_start3A_89 : memref<1x1x1x4x768xf32, #tpu.memory_space<hbm>> -> memref<4x768xf32, #tpu.memory_space<hbm>>
    %dma_start3A_91 = arith.constant 0 : i32
    %dma_start3A_92 = arith.constant 0 : i32
    %dma_start3A_93 = tpu.memref_slice %arg6[%dma_start3A_82, %dma_start3A_83, %add3A_81, %dma_start3A_91, %dma_start3A_92] : memref<5x2x128x4x768xf32, #tpu.memory_space<hbm>> -> memref<1x1x1x4x768xf32, #tpu.memory_space<hbm>>
    %dma_start3A_94 = tpu.memref_squeeze %dma_start3A_93 : memref<1x1x1x4x768xf32, #tpu.memory_space<hbm>> -> memref<4x768xf32, #tpu.memory_space<hbm>>
    %dma_start3A_95 = arith.constant 4 : i32
    %dma_start3A_96 = arith.constant 0 : i32
    %dma_start3A_97 = tpu.memref_slice %arg9[%dma_start3A_95, %dma_start3A_96] : memref<8x768xf32, #tpu.memory_space<vmem>> -> memref<4x768xf32, #tpu.memory_space<vmem>>
    tpu.enqueue_dma source(%dma_start3A_97 : memref<4x768xf32, #tpu.memory_space<vmem>>) target(%dma_start3A_94 : memref<4x768xf32, #tpu.memory_space<hbm>>) target_semaphore(%arg12 : memref<!tpu.dma_semaphore, #tpu.memory_space<semaphore_mem>>)
    %add3A_98 = arith.constant 1 : i32
    %add3A_99 = arith.addi %mul3A_2, %add3A_98 : i32
    %dma_start3A_100 = arith.constant 0 : i32
    %dma_start3A_101 = arith.constant 1 : i32
    %dma_start3A_102 = arith.constant 4 : i32
    %dma_start3A_103 = arith.constant 0 : i32
    %dma_start3A_104 = tpu.memref_slice %arg9[%dma_start3A_102, %dma_start3A_103] : memref<8x768xf32, #tpu.memory_space<vmem>> -> memref<4x768xf32, #tpu.memory_space<vmem>>
    %dma_start3A_105 = arith.constant 0 : i32
    %dma_start3A_106 = arith.constant 0 : i32
    %dma_start3A_107 = tpu.memref_slice %arg6[%dma_start3A_100, %dma_start3A_101, %add3A_99, %dma_start3A_105, %dma_start3A_106] : memref<5x2x128x4x768xf32, #tpu.memory_space<hbm>> -> memref<1x1x1x4x768xf32, #tpu.memory_space<hbm>>
    %dma_start3A_108 = tpu.memref_squeeze %dma_start3A_107 : memref<1x1x1x4x768xf32, #tpu.memory_space<hbm>> -> memref<4x768xf32, #tpu.memory_space<hbm>>
    %dma_start3A_109 = arith.constant 0 : i32
    %dma_start3A_110 = arith.constant 0 : i32
    %dma_start3A_111 = tpu.memref_slice %arg6[%dma_start3A_100, %dma_start3A_101, %add3A_99, %dma_start3A_109, %dma_start3A_110] : memref<5x2x128x4x768xf32, #tpu.memory_space<hbm>> -> memref<1x1x1x4x768xf32, #tpu.memory_space<hbm>>
    %dma_start3A_112 = tpu.memref_squeeze %dma_start3A_111 : memref<1x1x1x4x768xf32, #tpu.memory_space<hbm>> -> memref<4x768xf32, #tpu.memory_space<hbm>>
    %dma_start3A_113 = arith.constant 4 : i32
    %dma_start3A_114 = arith.constant 0 : i32
    %dma_start3A_115 = tpu.memref_slice %arg9[%dma_start3A_113, %dma_start3A_114] : memref<8x768xf32, #tpu.memory_space<vmem>> -> memref<4x768xf32, #tpu.memory_space<vmem>>
    tpu.enqueue_dma source(%dma_start3A_115 : memref<4x768xf32, #tpu.memory_space<vmem>>) target(%dma_start3A_112 : memref<4x768xf32, #tpu.memory_space<hbm>>) target_semaphore(%arg12 : memref<!tpu.dma_semaphore, #tpu.memory_space<semaphore_mem>>)
    %add3A_116 = arith.constant 2 : i32
    %add3A_117 = arith.addi %mul3A_2, %add3A_116 : i32
    %dma_start3A_118 = arith.constant 0 : i32
    %dma_start3A_119 = arith.constant 1 : i32
    %dma_start3A_120 = arith.constant 4 : i32
    %dma_start3A_121 = arith.constant 0 : i32
    %dma_start3A_122 = tpu.memref_slice %arg9[%dma_start3A_120, %dma_start3A_121] : memref<8x768xf32, #tpu.memory_space<vmem>> -> memref<4x768xf32, #tpu.memory_space<vmem>>
    %dma_start3A_123 = arith.constant 0 : i32
    %dma_start3A_124 = arith.constant 0 : i32
    %dma_start3A_125 = tpu.memref_slice %arg6[%dma_start3A_118, %dma_start3A_119, %add3A_117, %dma_start3A_123, %dma_start3A_124] : memref<5x2x128x4x768xf32, #tpu.memory_space<hbm>> -> memref<1x1x1x4x768xf32, #tpu.memory_space<hbm>>
    %dma_start3A_126 = tpu.memref_squeeze %dma_start3A_125 : memref<1x1x1x4x768xf32, #tpu.memory_space<hbm>> -> memref<4x768xf32, #tpu.memory_space<hbm>>
    %dma_start3A_127 = arith.constant 0 : i32
    %dma_start3A_128 = arith.constant 0 : i32
    %dma_start3A_129 = tpu.memref_slice %arg6[%dma_start3A_118, %dma_start3A_119, %add3A_117, %dma_start3A_127, %dma_start3A_128] : memref<5x2x128x4x768xf32, #tpu.memory_space<hbm>> -> memref<1x1x1x4x768xf32, #tpu.memory_space<hbm>>
    %dma_start3A_130 = tpu.memref_squeeze %dma_start3A_129 : memref<1x1x1x4x768xf32, #tpu.memory_space<hbm>> -> memref<4x768xf32, #tpu.memory_space<hbm>>
    %dma_start3A_131 = arith.constant 4 : i32
    %dma_start3A_132 = arith.constant 0 : i32
    %dma_start3A_133 = tpu.memref_slice %arg9[%dma_start3A_131, %dma_start3A_132] : memref<8x768xf32, #tpu.memory_space<vmem>> -> memref<4x768xf32, #tpu.memory_space<vmem>>
    tpu.enqueue_dma source(%dma_start3A_133 : memref<4x768xf32, #tpu.memory_space<vmem>>) target(%dma_start3A_130 : memref<4x768xf32, #tpu.memory_space<hbm>>) target_semaphore(%arg12 : memref<!tpu.dma_semaphore, #tpu.memory_space<semaphore_mem>>)
    %add3A_134 = arith.constant 3 : i32
    %add3A_135 = arith.addi %mul3A_2, %add3A_134 : i32
    %dma_start3A_136 = arith.constant 0 : i32
    %dma_start3A_137 = arith.constant 1 : i32
    %dma_start3A_138 = arith.constant 4 : i32
    %dma_start3A_139 = arith.constant 0 : i32
    %dma_start3A_140 = tpu.memref_slice %arg9[%dma_start3A_138, %dma_start3A_139] : memref<8x768xf32, #tpu.memory_space<vmem>> -> memref<4x768xf32, #tpu.memory_space<vmem>>
    %dma_start3A_141 = arith.constant 0 : i32
    %dma_start3A_142 = arith.constant 0 : i32
    %dma_start3A_143 = tpu.memref_slice %arg6[%dma_start3A_136, %dma_start3A_137, %add3A_135, %dma_start3A_141, %dma_start3A_142] : memref<5x2x128x4x768xf32, #tpu.memory_space<hbm>> -> memref<1x1x1x4x768xf32, #tpu.memory_space<hbm>>
    %dma_start3A_144 = tpu.memref_squeeze %dma_start3A_143 : memref<1x1x1x4x768xf32, #tpu.memory_space<hbm>> -> memref<4x768xf32, #tpu.memory_space<hbm>>
    %dma_start3A_145 = arith.constant 0 : i32
    %dma_start3A_146 = arith.constant 0 : i32
    %dma_start3A_147 = tpu.memref_slice %arg6[%dma_start3A_136, %dma_start3A_137, %add3A_135, %dma_start3A_145, %dma_start3A_146] : memref<5x2x128x4x768xf32, #tpu.memory_space<hbm>> -> memref<1x1x1x4x768xf32, #tpu.memory_space<hbm>>
    %dma_start3A_148 = tpu.memref_squeeze %dma_start3A_147 : memref<1x1x1x4x768xf32, #tpu.memory_space<hbm>> -> memref<4x768xf32, #tpu.memory_space<hbm>>
    %dma_start3A_149 = arith.constant 4 : i32
    %dma_start3A_150 = arith.constant 0 : i32
    %dma_start3A_151 = tpu.memref_slice %arg9[%dma_start3A_149, %dma_start3A_150] : memref<8x768xf32, #tpu.memory_space<vmem>> -> memref<4x768xf32, #tpu.memory_space<vmem>>
    tpu.enqueue_dma source(%dma_start3A_151 : memref<4x768xf32, #tpu.memory_space<vmem>>) target(%dma_start3A_148 : memref<4x768xf32, #tpu.memory_space<hbm>>) target_semaphore(%arg12 : memref<!tpu.dma_semaphore, #tpu.memory_space<semaphore_mem>>)
    %add3A_152 = arith.constant 0 : i32
    %add3A_153 = arith.addi %mul3A_2, %add3A_152 : i32
    %dma_start3A_154 = arith.constant 1 : i32
    %dma_start3A_155 = arith.constant 0 : i32
    %dma_start3A_156 = arith.constant 0 : i32
    %dma_start3A_157 = arith.constant 0 : i32
    %dma_start3A_158 = tpu.memref_slice %arg10[%dma_start3A_156, %dma_start3A_157] : memref<8x768xf32, #tpu.memory_space<vmem>> -> memref<4x768xf32, #tpu.memory_space<vmem>>
    %dma_start3A_159 = arith.constant 0 : i32
    %dma_start3A_160 = arith.constant 0 : i32
    %dma_start3A_161 = tpu.memref_slice %arg6[%dma_start3A_154, %dma_start3A_155, %add3A_153, %dma_start3A_159, %dma_start3A_160] : memref<5x2x128x4x768xf32, #tpu.memory_space<hbm>> -> memref<1x1x1x4x768xf32, #tpu.memory_space<hbm>>
    %dma_start3A_162 = tpu.memref_squeeze %dma_start3A_161 : memref<1x1x1x4x768xf32, #tpu.memory_space<hbm>> -> memref<4x768xf32, #tpu.memory_space<hbm>>
    %dma_start3A_163 = arith.constant 0 : i32
    %dma_start3A_164 = arith.constant 0 : i32
    %dma_start3A_165 = tpu.memref_slice %arg6[%dma_start3A_154, %dma_start3A_155, %add3A_153, %dma_start3A_163, %dma_start3A_164] : memref<5x2x128x4x768xf32, #tpu.memory_space<hbm>> -> memref<1x1x1x4x768xf32, #tpu.memory_space<hbm>>
    %dma_start3A_166 = tpu.memref_squeeze %dma_start3A_165 : memref<1x1x1x4x768xf32, #tpu.memory_space<hbm>> -> memref<4x768xf32, #tpu.memory_space<hbm>>
    %dma_start3A_167 = arith.constant 0 : i32
    %dma_start3A_168 = arith.constant 0 : i32
    %dma_start3A_169 = tpu.memref_slice %arg10[%dma_start3A_167, %dma_start3A_168] : memref<8x768xf32, #tpu.memory_space<vmem>> -> memref<4x768xf32, #tpu.memory_space<vmem>>
    tpu.enqueue_dma source(%dma_start3A_169 : memref<4x768xf32, #tpu.memory_space<vmem>>) target(%dma_start3A_166 : memref<4x768xf32, #tpu.memory_space<hbm>>) target_semaphore(%arg12 : memref<!tpu.dma_semaphore, #tpu.memory_space<semaphore_mem>>)
    %add3A_170 = arith.constant 1 : i32
    %add3A_171 = arith.addi %mul3A_2, %add3A_170 : i32
    %dma_start3A_172 = arith.constant 1 : i32
    %dma_start3A_173 = arith.constant 0 : i32
    %dma_start3A_174 = arith.constant 0 : i32
    %dma_start3A_175 = arith.constant 0 : i32
    %dma_start3A_176 = tpu.memref_slice %arg10[%dma_start3A_174, %dma_start3A_175] : memref<8x768xf32, #tpu.memory_space<vmem>> -> memref<4x768xf32, #tpu.memory_space<vmem>>
    %dma_start3A_177 = arith.constant 0 : i32
    %dma_start3A_178 = arith.constant 0 : i32
    %dma_start3A_179 = tpu.memref_slice %arg6[%dma_start3A_172, %dma_start3A_173, %add3A_171, %dma_start3A_177, %dma_start3A_178] : memref<5x2x128x4x768xf32, #tpu.memory_space<hbm>> -> memref<1x1x1x4x768xf32, #tpu.memory_space<hbm>>
    %dma_start3A_180 = tpu.memref_squeeze %dma_start3A_179 : memref<1x1x1x4x768xf32, #tpu.memory_space<hbm>> -> memref<4x768xf32, #tpu.memory_space<hbm>>
    %dma_start3A_181 = arith.constant 0 : i32
    %dma_start3A_182 = arith.constant 0 : i32
    %dma_start3A_183 = tpu.memref_slice %arg6[%dma_start3A_172, %dma_start3A_173, %add3A_171, %dma_start3A_181, %dma_start3A_182] : memref<5x2x128x4x768xf32, #tpu.memory_space<hbm>> -> memref<1x1x1x4x768xf32, #tpu.memory_space<hbm>>
    %dma_start3A_184 = tpu.memref_squeeze %dma_start3A_183 : memref<1x1x1x4x768xf32, #tpu.memory_space<hbm>> -> memref<4x768xf32, #tpu.memory_space<hbm>>
    %dma_start3A_185 = arith.constant 0 : i32
    %dma_start3A_186 = arith.constant 0 : i32
    %dma_start3A_187 = tpu.memref_slice %arg10[%dma_start3A_185, %dma_start3A_186] : memref<8x768xf32, #tpu.memory_space<vmem>> -> memref<4x768xf32, #tpu.memory_space<vmem>>
    tpu.enqueue_dma source(%dma_start3A_187 : memref<4x768xf32, #tpu.memory_space<vmem>>) target(%dma_start3A_184 : memref<4x768xf32, #tpu.memory_space<hbm>>) target_semaphore(%arg12 : memref<!tpu.dma_semaphore, #tpu.memory_space<semaphore_mem>>)
    %add3A_188 = arith.constant 2 : i32
    %add3A_189 = arith.addi %mul3A_2, %add3A_188 : i32
    %dma_start3A_190 = arith.constant 1 : i32
    %dma_start3A_191 = arith.constant 0 : i32
    %dma_start3A_192 = arith.constant 0 : i32
    %dma_start3A_193 = arith.constant 0 : i32
    %dma_start3A_194 = tpu.memref_slice %arg10[%dma_start3A_192, %dma_start3A_193] : memref<8x768xf32, #tpu.memory_space<vmem>> -> memref<4x768xf32, #tpu.memory_space<vmem>>
    %dma_start3A_195 = arith.constant 0 : i32
    %dma_start3A_196 = arith.constant 0 : i32
    %dma_start3A_197 = tpu.memref_slice %arg6[%dma_start3A_190, %dma_start3A_191, %add3A_189, %dma_start3A_195, %dma_start3A_196] : memref<5x2x128x4x768xf32, #tpu.memory_space<hbm>> -> memref<1x1x1x4x768xf32, #tpu.memory_space<hbm>>
    %dma_start3A_198 = tpu.memref_squeeze %dma_start3A_197 : memref<1x1x1x4x768xf32, #tpu.memory_space<hbm>> -> memref<4x768xf32, #tpu.memory_space<hbm>>
    %dma_start3A_199 = arith.constant 0 : i32
    %dma_start3A_200 = arith.constant 0 : i32
    %dma_start3A_201 = tpu.memref_slice %arg6[%dma_start3A_190, %dma_start3A_191, %add3A_189, %dma_start3A_199, %dma_start3A_200] : memref<5x2x128x4x768xf32, #tpu.memory_space<hbm>> -> memref<1x1x1x4x768xf32, #tpu.memory_space<hbm>>
    %dma_start3A_202 = tpu.memref_squeeze %dma_start3A_201 : memref<1x1x1x4x768xf32, #tpu.memory_space<hbm>> -> memref<4x768xf32, #tpu.memory_space<hbm>>
    %dma_start3A_203 = arith.constant 0 : i32
    %dma_start3A_204 = arith.constant 0 : i32
    %dma_start3A_205 = tpu.memref_slice %arg10[%dma_start3A_203, %dma_start3A_204] : memref<8x768xf32, #tpu.memory_space<vmem>> -> memref<4x768xf32, #tpu.memory_space<vmem>>
    tpu.enqueue_dma source(%dma_start3A_205 : memref<4x768xf32, #tpu.memory_space<vmem>>) target(%dma_start3A_202 : memref<4x768xf32, #tpu.memory_space<hbm>>) target_semaphore(%arg12 : memref<!tpu.dma_semaphore, #tpu.memory_space<semaphore_mem>>)
    %add3A_206 = arith.constant 3 : i32
    %add3A_207 = arith.addi %mul3A_2, %add3A_206 : i32
    %dma_start3A_208 = arith.constant 1 : i32
    %dma_start3A_209 = arith.constant 0 : i32
    %dma_start3A_210 = arith.constant 0 : i32
    %dma_start3A_211 = arith.constant 0 : i32
    %dma_start3A_212 = tpu.memref_slice %arg10[%dma_start3A_210, %dma_start3A_211] : memref<8x768xf32, #tpu.memory_space<vmem>> -> memref<4x768xf32, #tpu.memory_space<vmem>>
    %dma_start3A_213 = arith.constant 0 : i32
    %dma_start3A_214 = arith.constant 0 : i32
    %dma_start3A_215 = tpu.memref_slice %arg6[%dma_start3A_208, %dma_start3A_209, %add3A_207, %dma_start3A_213, %dma_start3A_214] : memref<5x2x128x4x768xf32, #tpu.memory_space<hbm>> -> memref<1x1x1x4x768xf32, #tpu.memory_space<hbm>>
    %dma_start3A_216 = tpu.memref_squeeze %dma_start3A_215 : memref<1x1x1x4x768xf32, #tpu.memory_space<hbm>> -> memref<4x768xf32, #tpu.memory_space<hbm>>
    %dma_start3A_217 = arith.constant 0 : i32
    %dma_start3A_218 = arith.constant 0 : i32
    %dma_start3A_219 = tpu.memref_slice %arg6[%dma_start3A_208, %dma_start3A_209, %add3A_207, %dma_start3A_217, %dma_start3A_218] : memref<5x2x128x4x768xf32, #tpu.memory_space<hbm>> -> memref<1x1x1x4x768xf32, #tpu.memory_space<hbm>>
    %dma_start3A_220 = tpu.memref_squeeze %dma_start3A_219 : memref<1x1x1x4x768xf32, #tpu.memory_space<hbm>> -> memref<4x768xf32, #tpu.memory_space<hbm>>
    %dma_start3A_221 = arith.constant 0 : i32
    %dma_start3A_222 = arith.constant 0 : i32
    %dma_start3A_223 = tpu.memref_slice %arg10[%dma_start3A_221, %dma_start3A_222] : memref<8x768xf32, #tpu.memory_space<vmem>> -> memref<4x768xf32, #tpu.memory_space<vmem>>
    tpu.enqueue_dma source(%dma_start3A_223 : memref<4x768xf32, #tpu.memory_space<vmem>>) target(%dma_start3A_220 : memref<4x768xf32, #tpu.memory_space<hbm>>) target_semaphore(%arg12 : memref<!tpu.dma_semaphore, #tpu.memory_space<semaphore_mem>>)
    %add3A_224 = arith.constant 0 : i32
    %add3A_225 = arith.addi %mul3A_2, %add3A_224 : i32
    %dma_start3A_226 = arith.constant 1 : i32
    %dma_start3A_227 = arith.constant 1 : i32
    %dma_start3A_228 = arith.constant 4 : i32
    %dma_start3A_229 = arith.constant 0 : i32
    %dma_start3A_230 = tpu.memref_slice %arg10[%dma_start3A_228, %dma_start3A_229] : memref<8x768xf32, #tpu.memory_space<vmem>> -> memref<4x768xf32, #tpu.memory_space<vmem>>
    %dma_start3A_231 = arith.constant 0 : i32
    %dma_start3A_232 = arith.constant 0 : i32
    %dma_start3A_233 = tpu.memref_slice %arg6[%dma_start3A_226, %dma_start3A_227, %add3A_225, %dma_start3A_231, %dma_start3A_232] : memref<5x2x128x4x768xf32, #tpu.memory_space<hbm>> -> memref<1x1x1x4x768xf32, #tpu.memory_space<hbm>>
    %dma_start3A_234 = tpu.memref_squeeze %dma_start3A_233 : memref<1x1x1x4x768xf32, #tpu.memory_space<hbm>> -> memref<4x768xf32, #tpu.memory_space<hbm>>
    %dma_start3A_235 = arith.constant 0 : i32
    %dma_start3A_236 = arith.constant 0 : i32
    %dma_start3A_237 = tpu.memref_slice %arg6[%dma_start3A_226, %dma_start3A_227, %add3A_225, %dma_start3A_235, %dma_start3A_236] : memref<5x2x128x4x768xf32, #tpu.memory_space<hbm>> -> memref<1x1x1x4x768xf32, #tpu.memory_space<hbm>>
    %dma_start3A_238 = tpu.memref_squeeze %dma_start3A_237 : memref<1x1x1x4x768xf32, #tpu.memory_space<hbm>> -> memref<4x768xf32, #tpu.memory_space<hbm>>
    %dma_start3A_239 = arith.constant 4 : i32
    %dma_start3A_240 = arith.constant 0 : i32
    %dma_start3A_241 = tpu.memref_slice %arg10[%dma_start3A_239, %dma_start3A_240] : memref<8x768xf32, #tpu.memory_space<vmem>> -> memref<4x768xf32, #tpu.memory_space<vmem>>
    tpu.enqueue_dma source(%dma_start3A_241 : memref<4x768xf32, #tpu.memory_space<vmem>>) target(%dma_start3A_238 : memref<4x768xf32, #tpu.memory_space<hbm>>) target_semaphore(%arg12 : memref<!tpu.dma_semaphore, #tpu.memory_space<semaphore_mem>>)
    %add3A_242 = arith.constant 1 : i32
    %add3A_243 = arith.addi %mul3A_2, %add3A_242 : i32
    %dma_start3A_244 = arith.constant 1 : i32
    %dma_start3A_245 = arith.constant 1 : i32
    %dma_start3A_246 = arith.constant 4 : i32
    %dma_start3A_247 = arith.constant 0 : i32
    %dma_start3A_248 = tpu.memref_slice %arg10[%dma_start3A_246, %dma_start3A_247] : memref<8x768xf32, #tpu.memory_space<vmem>> -> memref<4x768xf32, #tpu.memory_space<vmem>>
    %dma_start3A_249 = arith.constant 0 : i32
    %dma_start3A_250 = arith.constant 0 : i32
    %dma_start3A_251 = tpu.memref_slice %arg6[%dma_start3A_244, %dma_start3A_245, %add3A_243, %dma_start3A_249, %dma_start3A_250] : memref<5x2x128x4x768xf32, #tpu.memory_space<hbm>> -> memref<1x1x1x4x768xf32, #tpu.memory_space<hbm>>
    %dma_start3A_252 = tpu.memref_squeeze %dma_start3A_251 : memref<1x1x1x4x768xf32, #tpu.memory_space<hbm>> -> memref<4x768xf32, #tpu.memory_space<hbm>>
    %dma_start3A_253 = arith.constant 0 : i32
    %dma_start3A_254 = arith.constant 0 : i32
    %dma_start3A_255 = tpu.memref_slice %arg6[%dma_start3A_244, %dma_start3A_245, %add3A_243, %dma_start3A_253, %dma_start3A_254] : memref<5x2x128x4x768xf32, #tpu.memory_space<hbm>> -> memref<1x1x1x4x768xf32, #tpu.memory_space<hbm>>
    %dma_start3A_256 = tpu.memref_squeeze %dma_start3A_255 : memref<1x1x1x4x768xf32, #tpu.memory_space<hbm>> -> memref<4x768xf32, #tpu.memory_space<hbm>>
    %dma_start3A_257 = arith.constant 4 : i32
    %dma_start3A_258 = arith.constant 0 : i32
    %dma_start3A_259 = tpu.memref_slice %arg10[%dma_start3A_257, %dma_start3A_258] : memref<8x768xf32, #tpu.memory_space<vmem>> -> memref<4x768xf32, #tpu.memory_space<vmem>>
    tpu.enqueue_dma source(%dma_start3A_259 : memref<4x768xf32, #tpu.memory_space<vmem>>) target(%dma_start3A_256 : memref<4x768xf32, #tpu.memory_space<hbm>>) target_semaphore(%arg12 : memref<!tpu.dma_semaphore, #tpu.memory_space<semaphore_mem>>)
    %add3A_260 = arith.constant 2 : i32
    %add3A_261 = arith.addi %mul3A_2, %add3A_260 : i32
    %dma_start3A_262 = arith.constant 1 : i32
    %dma_start3A_263 = arith.constant 1 : i32
    %dma_start3A_264 = arith.constant 4 : i32
    %dma_start3A_265 = arith.constant 0 : i32
    %dma_start3A_266 = tpu.memref_slice %arg10[%dma_start3A_264, %dma_start3A_265] : memref<8x768xf32, #tpu.memory_space<vmem>> -> memref<4x768xf32, #tpu.memory_space<vmem>>
    %dma_start3A_267 = arith.constant 0 : i32
    %dma_start3A_268 = arith.constant 0 : i32
    %dma_start3A_269 = tpu.memref_slice %arg6[%dma_start3A_262, %dma_start3A_263, %add3A_261, %dma_start3A_267, %dma_start3A_268] : memref<5x2x128x4x768xf32, #tpu.memory_space<hbm>> -> memref<1x1x1x4x768xf32, #tpu.memory_space<hbm>>
    %dma_start3A_270 = tpu.memref_squeeze %dma_start3A_269 : memref<1x1x1x4x768xf32, #tpu.memory_space<hbm>> -> memref<4x768xf32, #tpu.memory_space<hbm>>
    %dma_start3A_271 = arith.constant 0 : i32
    %dma_start3A_272 = arith.constant 0 : i32
    %dma_start3A_273 = tpu.memref_slice %arg6[%dma_start3A_262, %dma_start3A_263, %add3A_261, %dma_start3A_271, %dma_start3A_272] : memref<5x2x128x4x768xf32, #tpu.memory_space<hbm>> -> memref<1x1x1x4x768xf32, #tpu.memory_space<hbm>>
    %dma_start3A_274 = tpu.memref_squeeze %dma_start3A_273 : memref<1x1x1x4x768xf32, #tpu.memory_space<hbm>> -> memref<4x768xf32, #tpu.memory_space<hbm>>
    %dma_start3A_275 = arith.constant 4 : i32
    %dma_start3A_276 = arith.constant 0 : i32
    %dma_start3A_277 = tpu.memref_slice %arg10[%dma_start3A_275, %dma_start3A_276] : memref<8x768xf32, #tpu.memory_space<vmem>> -> memref<4x768xf32, #tpu.memory_space<vmem>>
    tpu.enqueue_dma source(%dma_start3A_277 : memref<4x768xf32, #tpu.memory_space<vmem>>) target(%dma_start3A_274 : memref<4x768xf32, #tpu.memory_space<hbm>>) target_semaphore(%arg12 : memref<!tpu.dma_semaphore, #tpu.memory_space<semaphore_mem>>)
    %add3A_278 = arith.constant 3 : i32
    %add3A_279 = arith.addi %mul3A_2, %add3A_278 : i32
    %dma_start3A_280 = arith.constant 1 : i32
    %dma_start3A_281 = arith.constant 1 : i32
    %dma_start3A_282 = arith.constant 4 : i32
    %dma_start3A_283 = arith.constant 0 : i32
    %dma_start3A_284 = tpu.memref_slice %arg10[%dma_start3A_282, %dma_start3A_283] : memref<8x768xf32, #tpu.memory_space<vmem>> -> memref<4x768xf32, #tpu.memory_space<vmem>>
    %dma_start3A_285 = arith.constant 0 : i32
    %dma_start3A_286 = arith.constant 0 : i32
    %dma_start3A_287 = tpu.memref_slice %arg6[%dma_start3A_280, %dma_start3A_281, %add3A_279, %dma_start3A_285, %dma_start3A_286] : memref<5x2x128x4x768xf32, #tpu.memory_space<hbm>> -> memref<1x1x1x4x768xf32, #tpu.memory_space<hbm>>
    %dma_start3A_288 = tpu.memref_squeeze %dma_start3A_287 : memref<1x1x1x4x768xf32, #tpu.memory_space<hbm>> -> memref<4x768xf32, #tpu.memory_space<hbm>>
    %dma_start3A_289 = arith.constant 0 : i32
    %dma_start3A_290 = arith.constant 0 : i32
    %dma_start3A_291 = tpu.memref_slice %arg6[%dma_start3A_280, %dma_start3A_281, %add3A_279, %dma_start3A_289, %dma_start3A_290] : memref<5x2x128x4x768xf32, #tpu.memory_space<hbm>> -> memref<1x1x1x4x768xf32, #tpu.memory_space<hbm>>
    %dma_start3A_292 = tpu.memref_squeeze %dma_start3A_291 : memref<1x1x1x4x768xf32, #tpu.memory_space<hbm>> -> memref<4x768xf32, #tpu.memory_space<hbm>>
    %dma_start3A_293 = arith.constant 4 : i32
    %dma_start3A_294 = arith.constant 0 : i32
    %dma_start3A_295 = tpu.memref_slice %arg10[%dma_start3A_293, %dma_start3A_294] : memref<8x768xf32, #tpu.memory_space<vmem>> -> memref<4x768xf32, #tpu.memory_space<vmem>>
    tpu.enqueue_dma source(%dma_start3A_295 : memref<4x768xf32, #tpu.memory_space<vmem>>) target(%dma_start3A_292 : memref<4x768xf32, #tpu.memory_space<hbm>>) target_semaphore(%arg12 : memref<!tpu.dma_semaphore, #tpu.memory_space<semaphore_mem>>)
    %dma_wait3A = arith.constant 0 : i32
    %dma_wait3A_296 = tpu.memref_slice %arg7[%dma_wait3A] : memref<16xi32, #tpu.memory_space<vmem>> -> memref<4xi32, #tpu.memory_space<vmem>>
    %dma_wait3A_297 = arith.constant 0 : i32
    %dma_wait3A_298 = arith.constant 0 : i32
    %dma_wait3A_299 = arith.constant 0 : i32
    %dma_wait3A_300 = tpu.memref_slice %arg2[%dma_wait3A_297, %dma_wait3A_298, %dma_wait3A_299] : memref<8192x8x768xf32, #tpu.memory_space<hbm>> -> memref<8192x8x768xf32, #tpu.memory_space<hbm>>
    tpu.wait_indirect_dma semaphore(%arg11 : memref<!tpu.dma_semaphore, #tpu.memory_space<semaphore_mem>>) src(%dma_wait3A_300 : memref<8192x8x768xf32, #tpu.memory_space<hbm>>) dst(%arg8 : memref<4x8x768xf32, #tpu.memory_space<vmem>>)
    %dma_start3A_301 = arith.constant 2 : i32
    %dma_start3A_302 = arith.constant 0 : i32
    %dma_start3A_303 = arith.constant 0 : i32
    %dma_start3A_304 = arith.constant 0 : i32
    %dma_start3A_305 = arith.constant 0 : i32
    %dma_start3A_306 = tpu.memref_slice %arg8[%dma_start3A_303, %dma_start3A_304, %dma_start3A_305] : memref<4x8x768xf32, #tpu.memory_space<vmem>> -> memref<4x4x768xf32, #tpu.memory_space<vmem>>
    %dma_start3A_307 = arith.constant 0 : i32
    %dma_start3A_308 = arith.constant 0 : i32
    %dma_start3A_309 = tpu.memref_slice %arg6[%dma_start3A_301, %dma_start3A_302, %mul3A_2, %dma_start3A_307, %dma_start3A_308] : memref<5x2x128x4x768xf32, #tpu.memory_space<hbm>> -> memref<1x1x4x4x768xf32, #tpu.memory_space<hbm>>
    %dma_start3A_310 = tpu.memref_squeeze %dma_start3A_309 : memref<1x1x4x4x768xf32, #tpu.memory_space<hbm>> -> memref<4x4x768xf32, #tpu.memory_space<hbm>>
    %dma_start3A_311 = arith.constant 0 : i32
    %dma_start3A_312 = arith.constant 0 : i32
    %dma_start3A_313 = tpu.memref_slice %arg6[%dma_start3A_301, %dma_start3A_302, %mul3A_2, %dma_start3A_311, %dma_start3A_312] : memref<5x2x128x4x768xf32, #tpu.memory_space<hbm>> -> memref<1x1x4x4x768xf32, #tpu.memory_space<hbm>>
    %dma_start3A_314 = tpu.memref_squeeze %dma_start3A_313 : memref<1x1x4x4x768xf32, #tpu.memory_space<hbm>> -> memref<4x4x768xf32, #tpu.memory_space<hbm>>
    %dma_start3A_315 = arith.constant 0 : i32
    %dma_start3A_316 = arith.constant 0 : i32
    %dma_start3A_317 = arith.constant 0 : i32
    %dma_start3A_318 = tpu.memref_slice %arg8[%dma_start3A_315, %dma_start3A_316, %dma_start3A_317] : memref<4x8x768xf32, #tpu.memory_space<vmem>> -> memref<4x4x768xf32, #tpu.memory_space<vmem>>
    tpu.enqueue_dma source(%dma_start3A_318 : memref<4x4x768xf32, #tpu.memory_space<vmem>>) target(%dma_start3A_314 : memref<4x4x768xf32, #tpu.memory_space<hbm>>) target_semaphore(%arg12 : memref<!tpu.dma_semaphore, #tpu.memory_space<semaphore_mem>>)
    %dma_start3A_319 = arith.constant 2 : i32
    %dma_start3A_320 = arith.constant 1 : i32
    %dma_start3A_321 = arith.constant 0 : i32
    %dma_start3A_322 = arith.constant 4 : i32
    %dma_start3A_323 = arith.constant 0 : i32
    %dma_start3A_324 = tpu.memref_slice %arg8[%dma_start3A_321, %dma_start3A_322, %dma_start3A_323] : memref<4x8x768xf32, #tpu.memory_space<vmem>> -> memref<4x4x768xf32, #tpu.memory_space<vmem>>
    %dma_start3A_325 = arith.constant 0 : i32
    %dma_start3A_326 = arith.constant 0 : i32
    %dma_start3A_327 = tpu.memref_slice %arg6[%dma_start3A_319, %dma_start3A_320, %mul3A_2, %dma_start3A_325, %dma_start3A_326] : memref<5x2x128x4x768xf32, #tpu.memory_space<hbm>> -> memref<1x1x4x4x768xf32, #tpu.memory_space<hbm>>
    %dma_start3A_328 = tpu.memref_squeeze %dma_start3A_327 : memref<1x1x4x4x768xf32, #tpu.memory_space<hbm>> -> memref<4x4x768xf32, #tpu.memory_space<hbm>>
    %dma_start3A_329 = arith.constant 0 : i32
    %dma_start3A_330 = arith.constant 0 : i32
    %dma_start3A_331 = tpu.memref_slice %arg6[%dma_start3A_319, %dma_start3A_320, %mul3A_2, %dma_start3A_329, %dma_start3A_330] : memref<5x2x128x4x768xf32, #tpu.memory_space<hbm>> -> memref<1x1x4x4x768xf32, #tpu.memory_space<hbm>>
    %dma_start3A_332 = tpu.memref_squeeze %dma_start3A_331 : memref<1x1x4x4x768xf32, #tpu.memory_space<hbm>> -> memref<4x4x768xf32, #tpu.memory_space<hbm>>
    %dma_start3A_333 = arith.constant 0 : i32
    %dma_start3A_334 = arith.constant 4 : i32
    %dma_start3A_335 = arith.constant 0 : i32
    %dma_start3A_336 = tpu.memref_slice %arg8[%dma_start3A_333, %dma_start3A_334, %dma_start3A_335] : memref<4x8x768xf32, #tpu.memory_space<vmem>> -> memref<4x4x768xf32, #tpu.memory_space<vmem>>
    tpu.enqueue_dma source(%dma_start3A_336 : memref<4x4x768xf32, #tpu.memory_space<vmem>>) target(%dma_start3A_332 : memref<4x4x768xf32, #tpu.memory_space<hbm>>) target_semaphore(%arg12 : memref<!tpu.dma_semaphore, #tpu.memory_space<semaphore_mem>>)
    %dma_wait3A_337 = arith.constant 0 : i32
    %dma_wait3A_338 = arith.constant 0 : i32
    %dma_wait3A_339 = arith.constant 0 : i32
    %dma_wait3A_340 = arith.constant 0 : i32
    %dma_wait3A_341 = tpu.memref_slice %arg9[%dma_wait3A_339, %dma_wait3A_340] : memref<8x768xf32, #tpu.memory_space<vmem>> -> memref<4x768xf32, #tpu.memory_space<vmem>>
    %dma_wait3A_342 = arith.constant 0 : i32
    %dma_wait3A_343 = arith.constant 0 : i32
    %dma_wait3A_344 = tpu.memref_slice %arg6[%dma_wait3A_337, %dma_wait3A_338, %add3A_9, %dma_wait3A_342, %dma_wait3A_343] : memref<5x2x128x4x768xf32, #tpu.memory_space<hbm>> -> memref<1x1x1x4x768xf32, #tpu.memory_space<hbm>>
    %dma_wait3A_345 = tpu.memref_squeeze %dma_wait3A_344 : memref<1x1x1x4x768xf32, #tpu.memory_space<hbm>> -> memref<4x768xf32, #tpu.memory_space<hbm>>
    %dma_wait3A_346 = arith.constant 0 : i32
    %dma_wait3A_347 = arith.constant 0 : i32
    %dma_wait3A_348 = tpu.memref_slice %arg6[%dma_wait3A_337, %dma_wait3A_338, %add3A_9, %dma_wait3A_346, %dma_wait3A_347] : memref<5x2x128x4x768xf32, #tpu.memory_space<hbm>> -> memref<1x1x1x4x768xf32, #tpu.memory_space<hbm>>
    %dma_wait3A_349 = tpu.memref_squeeze %dma_wait3A_348 : memref<1x1x1x4x768xf32, #tpu.memory_space<hbm>> -> memref<4x768xf32, #tpu.memory_space<hbm>>
    %dma_wait3A_350 = arith.constant 0 : i32
    %dma_wait3A_351 = arith.constant 0 : i32
    %dma_wait3A_352 = tpu.memref_slice %arg9[%dma_wait3A_350, %dma_wait3A_351] : memref<8x768xf32, #tpu.memory_space<vmem>> -> memref<4x768xf32, #tpu.memory_space<vmem>>
    tpu.wait_dma2 semaphore(%arg12 : memref<!tpu.dma_semaphore, #tpu.memory_space<semaphore_mem>>) src(%dma_wait3A_352 : memref<4x768xf32, #tpu.memory_space<vmem>>) dst(%dma_wait3A_349 : memref<4x768xf32, #tpu.memory_space<hbm>>)
    %dma_wait3A_353 = arith.constant 0 : i32
    %dma_wait3A_354 = arith.constant 0 : i32
    %dma_wait3A_355 = arith.constant 0 : i32
    %dma_wait3A_356 = arith.constant 0 : i32
    %dma_wait3A_357 = tpu.memref_slice %arg9[%dma_wait3A_355, %dma_wait3A_356] : memref<8x768xf32, #tpu.memory_space<vmem>> -> memref<4x768xf32, #tpu.memory_space<vmem>>
    %dma_wait3A_358 = arith.constant 0 : i32
    %dma_wait3A_359 = arith.constant 0 : i32
    %dma_wait3A_360 = tpu.memref_slice %arg6[%dma_wait3A_353, %dma_wait3A_354, %add3A_27, %dma_wait3A_358, %dma_wait3A_359] : memref<5x2x128x4x768xf32, #tpu.memory_space<hbm>> -> memref<1x1x1x4x768xf32, #tpu.memory_space<hbm>>
    %dma_wait3A_361 = tpu.memref_squeeze %dma_wait3A_360 : memref<1x1x1x4x768xf32, #tpu.memory_space<hbm>> -> memref<4x768xf32, #tpu.memory_space<hbm>>
    %dma_wait3A_362 = arith.constant 0 : i32
    %dma_wait3A_363 = arith.constant 0 : i32
    %dma_wait3A_364 = tpu.memref_slice %arg6[%dma_wait3A_353, %dma_wait3A_354, %add3A_27, %dma_wait3A_362, %dma_wait3A_363] : memref<5x2x128x4x768xf32, #tpu.memory_space<hbm>> -> memref<1x1x1x4x768xf32, #tpu.memory_space<hbm>>
    %dma_wait3A_365 = tpu.memref_squeeze %dma_wait3A_364 : memref<1x1x1x4x768xf32, #tpu.memory_space<hbm>> -> memref<4x768xf32, #tpu.memory_space<hbm>>
    %dma_wait3A_366 = arith.constant 0 : i32
    %dma_wait3A_367 = arith.constant 0 : i32
    %dma_wait3A_368 = tpu.memref_slice %arg9[%dma_wait3A_366, %dma_wait3A_367] : memref<8x768xf32, #tpu.memory_space<vmem>> -> memref<4x768xf32, #tpu.memory_space<vmem>>
    tpu.wait_dma2 semaphore(%arg12 : memref<!tpu.dma_semaphore, #tpu.memory_space<semaphore_mem>>) src(%dma_wait3A_368 : memref<4x768xf32, #tpu.memory_space<vmem>>) dst(%dma_wait3A_365 : memref<4x768xf32, #tpu.memory_space<hbm>>)
    %dma_wait3A_369 = arith.constant 0 : i32
    %dma_wait3A_370 = arith.constant 0 : i32
    %dma_wait3A_371 = arith.constant 0 : i32
    %dma_wait3A_372 = arith.constant 0 : i32
    %dma_wait3A_373 = tpu.memref_slice %arg9[%dma_wait3A_371, %dma_wait3A_372] : memref<8x768xf32, #tpu.memory_space<vmem>> -> memref<4x768xf32, #tpu.memory_space<vmem>>
    %dma_wait3A_374 = arith.constant 0 : i32
    %dma_wait3A_375 = arith.constant 0 : i32
    %dma_wait3A_376 = tpu.memref_slice %arg6[%dma_wait3A_369, %dma_wait3A_370, %add3A_45, %dma_wait3A_374, %dma_wait3A_375] : memref<5x2x128x4x768xf32, #tpu.memory_space<hbm>> -> memref<1x1x1x4x768xf32, #tpu.memory_space<hbm>>
    %dma_wait3A_377 = tpu.memref_squeeze %dma_wait3A_376 : memref<1x1x1x4x768xf32, #tpu.memory_space<hbm>> -> memref<4x768xf32, #tpu.memory_space<hbm>>
    %dma_wait3A_378 = arith.constant 0 : i32
    %dma_wait3A_379 = arith.constant 0 : i32
    %dma_wait3A_380 = tpu.memref_slice %arg6[%dma_wait3A_369, %dma_wait3A_370, %add3A_45, %dma_wait3A_378, %dma_wait3A_379] : memref<5x2x128x4x768xf32, #tpu.memory_space<hbm>> -> memref<1x1x1x4x768xf32, #tpu.memory_space<hbm>>
    %dma_wait3A_381 = tpu.memref_squeeze %dma_wait3A_380 : memref<1x1x1x4x768xf32, #tpu.memory_space<hbm>> -> memref<4x768xf32, #tpu.memory_space<hbm>>
    %dma_wait3A_382 = arith.constant 0 : i32
    %dma_wait3A_383 = arith.constant 0 : i32
    %dma_wait3A_384 = tpu.memref_slice %arg9[%dma_wait3A_382, %dma_wait3A_383] : memref<8x768xf32, #tpu.memory_space<vmem>> -> memref<4x768xf32, #tpu.memory_space<vmem>>
    tpu.wait_dma2 semaphore(%arg12 : memref<!tpu.dma_semaphore, #tpu.memory_space<semaphore_mem>>) src(%dma_wait3A_384 : memref<4x768xf32, #tpu.memory_space<vmem>>) dst(%dma_wait3A_381 : memref<4x768xf32, #tpu.memory_space<hbm>>)
    %dma_wait3A_385 = arith.constant 0 : i32
    %dma_wait3A_386 = arith.constant 0 : i32
    %dma_wait3A_387 = arith.constant 0 : i32
    %dma_wait3A_388 = arith.constant 0 : i32
    %dma_wait3A_389 = tpu.memref_slice %arg9[%dma_wait3A_387, %dma_wait3A_388] : memref<8x768xf32, #tpu.memory_space<vmem>> -> memref<4x768xf32, #tpu.memory_space<vmem>>
    %dma_wait3A_390 = arith.constant 0 : i32
    %dma_wait3A_391 = arith.constant 0 : i32
    %dma_wait3A_392 = tpu.memref_slice %arg6[%dma_wait3A_385, %dma_wait3A_386, %add3A_63, %dma_wait3A_390, %dma_wait3A_391] : memref<5x2x128x4x768xf32, #tpu.memory_space<hbm>> -> memref<1x1x1x4x768xf32, #tpu.memory_space<hbm>>
    %dma_wait3A_393 = tpu.memref_squeeze %dma_wait3A_392 : memref<1x1x1x4x768xf32, #tpu.memory_space<hbm>> -> memref<4x768xf32, #tpu.memory_space<hbm>>
    %dma_wait3A_394 = arith.constant 0 : i32
    %dma_wait3A_395 = arith.constant 0 : i32
    %dma_wait3A_396 = tpu.memref_slice %arg6[%dma_wait3A_385, %dma_wait3A_386, %add3A_63, %dma_wait3A_394, %dma_wait3A_395] : memref<5x2x128x4x768xf32, #tpu.memory_space<hbm>> -> memref<1x1x1x4x768xf32, #tpu.memory_space<hbm>>
    %dma_wait3A_397 = tpu.memref_squeeze %dma_wait3A_396 : memref<1x1x1x4x768xf32, #tpu.memory_space<hbm>> -> memref<4x768xf32, #tpu.memory_space<hbm>>
    %dma_wait3A_398 = arith.constant 0 : i32
    %dma_wait3A_399 = arith.constant 0 : i32
    %dma_wait3A_400 = tpu.memref_slice %arg9[%dma_wait3A_398, %dma_wait3A_399] : memref<8x768xf32, #tpu.memory_space<vmem>> -> memref<4x768xf32, #tpu.memory_space<vmem>>
    tpu.wait_dma2 semaphore(%arg12 : memref<!tpu.dma_semaphore, #tpu.memory_space<semaphore_mem>>) src(%dma_wait3A_400 : memref<4x768xf32, #tpu.memory_space<vmem>>) dst(%dma_wait3A_397 : memref<4x768xf32, #tpu.memory_space<hbm>>)
    %dma_wait3A_401 = arith.constant 0 : i32
    %dma_wait3A_402 = arith.constant 1 : i32
    %dma_wait3A_403 = arith.constant 4 : i32
    %dma_wait3A_404 = arith.constant 0 : i32
    %dma_wait3A_405 = tpu.memref_slice %arg9[%dma_wait3A_403, %dma_wait3A_404] : memref<8x768xf32, #tpu.memory_space<vmem>> -> memref<4x768xf32, #tpu.memory_space<vmem>>
    %dma_wait3A_406 = arith.constant 0 : i32
    %dma_wait3A_407 = arith.constant 0 : i32
    %dma_wait3A_408 = tpu.memref_slice %arg6[%dma_wait3A_401, %dma_wait3A_402, %add3A_81, %dma_wait3A_406, %dma_wait3A_407] : memref<5x2x128x4x768xf32, #tpu.memory_space<hbm>> -> memref<1x1x1x4x768xf32, #tpu.memory_space<hbm>>
    %dma_wait3A_409 = tpu.memref_squeeze %dma_wait3A_408 : memref<1x1x1x4x768xf32, #tpu.memory_space<hbm>> -> memref<4x768xf32, #tpu.memory_space<hbm>>
    %dma_wait3A_410 = arith.constant 0 : i32
    %dma_wait3A_411 = arith.constant 0 : i32
    %dma_wait3A_412 = tpu.memref_slice %arg6[%dma_wait3A_401, %dma_wait3A_402, %add3A_81, %dma_wait3A_410, %dma_wait3A_411] : memref<5x2x128x4x768xf32, #tpu.memory_space<hbm>> -> memref<1x1x1x4x768xf32, #tpu.memory_space<hbm>>
    %dma_wait3A_413 = tpu.memref_squeeze %dma_wait3A_412 : memref<1x1x1x4x768xf32, #tpu.memory_space<hbm>> -> memref<4x768xf32, #tpu.memory_space<hbm>>
    %dma_wait3A_414 = arith.constant 4 : i32
    %dma_wait3A_415 = arith.constant 0 : i32
    %dma_wait3A_416 = tpu.memref_slice %arg9[%dma_wait3A_414, %dma_wait3A_415] : memref<8x768xf32, #tpu.memory_space<vmem>> -> memref<4x768xf32, #tpu.memory_space<vmem>>
    tpu.wait_dma2 semaphore(%arg12 : memref<!tpu.dma_semaphore, #tpu.memory_space<semaphore_mem>>) src(%dma_wait3A_416 : memref<4x768xf32, #tpu.memory_space<vmem>>) dst(%dma_wait3A_413 : memref<4x768xf32, #tpu.memory_space<hbm>>)
    %dma_wait3A_417 = arith.constant 0 : i32
    %dma_wait3A_418 = arith.constant 1 : i32
    %dma_wait3A_419 = arith.constant 4 : i32
    %dma_wait3A_420 = arith.constant 0 : i32
    %dma_wait3A_421 = tpu.memref_slice %arg9[%dma_wait3A_419, %dma_wait3A_420] : memref<8x768xf32, #tpu.memory_space<vmem>> -> memref<4x768xf32, #tpu.memory_space<vmem>>
    %dma_wait3A_422 = arith.constant 0 : i32
    %dma_wait3A_423 = arith.constant 0 : i32
    %dma_wait3A_424 = tpu.memref_slice %arg6[%dma_wait3A_417, %dma_wait3A_418, %add3A_99, %dma_wait3A_422, %dma_wait3A_423] : memref<5x2x128x4x768xf32, #tpu.memory_space<hbm>> -> memref<1x1x1x4x768xf32, #tpu.memory_space<hbm>>
    %dma_wait3A_425 = tpu.memref_squeeze %dma_wait3A_424 : memref<1x1x1x4x768xf32, #tpu.memory_space<hbm>> -> memref<4x768xf32, #tpu.memory_space<hbm>>
    %dma_wait3A_426 = arith.constant 0 : i32
    %dma_wait3A_427 = arith.constant 0 : i32
    %dma_wait3A_428 = tpu.memref_slice %arg6[%dma_wait3A_417, %dma_wait3A_418, %add3A_99, %dma_wait3A_426, %dma_wait3A_427] : memref<5x2x128x4x768xf32, #tpu.memory_space<hbm>> -> memref<1x1x1x4x768xf32, #tpu.memory_space<hbm>>
    %dma_wait3A_429 = tpu.memref_squeeze %dma_wait3A_428 : memref<1x1x1x4x768xf32, #tpu.memory_space<hbm>> -> memref<4x768xf32, #tpu.memory_space<hbm>>
    %dma_wait3A_430 = arith.constant 4 : i32
    %dma_wait3A_431 = arith.constant 0 : i32
    %dma_wait3A_432 = tpu.memref_slice %arg9[%dma_wait3A_430, %dma_wait3A_431] : memref<8x768xf32, #tpu.memory_space<vmem>> -> memref<4x768xf32, #tpu.memory_space<vmem>>
    tpu.wait_dma2 semaphore(%arg12 : memref<!tpu.dma_semaphore, #tpu.memory_space<semaphore_mem>>) src(%dma_wait3A_432 : memref<4x768xf32, #tpu.memory_space<vmem>>) dst(%dma_wait3A_429 : memref<4x768xf32, #tpu.memory_space<hbm>>)
    %dma_wait3A_433 = arith.constant 0 : i32
    %dma_wait3A_434 = arith.constant 1 : i32
    %dma_wait3A_435 = arith.constant 4 : i32
    %dma_wait3A_436 = arith.constant 0 : i32
    %dma_wait3A_437 = tpu.memref_slice %arg9[%dma_wait3A_435, %dma_wait3A_436] : memref<8x768xf32, #tpu.memory_space<vmem>> -> memref<4x768xf32, #tpu.memory_space<vmem>>
    %dma_wait3A_438 = arith.constant 0 : i32
    %dma_wait3A_439 = arith.constant 0 : i32
    %dma_wait3A_440 = tpu.memref_slice %arg6[%dma_wait3A_433, %dma_wait3A_434, %add3A_117, %dma_wait3A_438, %dma_wait3A_439] : memref<5x2x128x4x768xf32, #tpu.memory_space<hbm>> -> memref<1x1x1x4x768xf32, #tpu.memory_space<hbm>>
    %dma_wait3A_441 = tpu.memref_squeeze %dma_wait3A_440 : memref<1x1x1x4x768xf32, #tpu.memory_space<hbm>> -> memref<4x768xf32, #tpu.memory_space<hbm>>
    %dma_wait3A_442 = arith.constant 0 : i32
    %dma_wait3A_443 = arith.constant 0 : i32
    %dma_wait3A_444 = tpu.memref_slice %arg6[%dma_wait3A_433, %dma_wait3A_434, %add3A_117, %dma_wait3A_442, %dma_wait3A_443] : memref<5x2x128x4x768xf32, #tpu.memory_space<hbm>> -> memref<1x1x1x4x768xf32, #tpu.memory_space<hbm>>
    %dma_wait3A_445 = tpu.memref_squeeze %dma_wait3A_444 : memref<1x1x1x4x768xf32, #tpu.memory_space<hbm>> -> memref<4x768xf32, #tpu.memory_space<hbm>>
    %dma_wait3A_446 = arith.constant 4 : i32
    %dma_wait3A_447 = arith.constant 0 : i32
    %dma_wait3A_448 = tpu.memref_slice %arg9[%dma_wait3A_446, %dma_wait3A_447] : memref<8x768xf32, #tpu.memory_space<vmem>> -> memref<4x768xf32, #tpu.memory_space<vmem>>
    tpu.wait_dma2 semaphore(%arg12 : memref<!tpu.dma_semaphore, #tpu.memory_space<semaphore_mem>>) src(%dma_wait3A_448 : memref<4x768xf32, #tpu.memory_space<vmem>>) dst(%dma_wait3A_445 : memref<4x768xf32, #tpu.memory_space<hbm>>)
    %dma_wait3A_449 = arith.constant 0 : i32
    %dma_wait3A_450 = arith.constant 1 : i32
    %dma_wait3A_451 = arith.constant 4 : i32
    %dma_wait3A_452 = arith.constant 0 : i32
    %dma_wait3A_453 = tpu.memref_slice %arg9[%dma_wait3A_451, %dma_wait3A_452] : memref<8x768xf32, #tpu.memory_space<vmem>> -> memref<4x768xf32, #tpu.memory_space<vmem>>
    %dma_wait3A_454 = arith.constant 0 : i32
    %dma_wait3A_455 = arith.constant 0 : i32
    %dma_wait3A_456 = tpu.memref_slice %arg6[%dma_wait3A_449, %dma_wait3A_450, %add3A_135, %dma_wait3A_454, %dma_wait3A_455] : memref<5x2x128x4x768xf32, #tpu.memory_space<hbm>> -> memref<1x1x1x4x768xf32, #tpu.memory_space<hbm>>
    %dma_wait3A_457 = tpu.memref_squeeze %dma_wait3A_456 : memref<1x1x1x4x768xf32, #tpu.memory_space<hbm>> -> memref<4x768xf32, #tpu.memory_space<hbm>>
    %dma_wait3A_458 = arith.constant 0 : i32
    %dma_wait3A_459 = arith.constant 0 : i32
    %dma_wait3A_460 = tpu.memref_slice %arg6[%dma_wait3A_449, %dma_wait3A_450, %add3A_135, %dma_wait3A_458, %dma_wait3A_459] : memref<5x2x128x4x768xf32, #tpu.memory_space<hbm>> -> memref<1x1x1x4x768xf32, #tpu.memory_space<hbm>>
    %dma_wait3A_461 = tpu.memref_squeeze %dma_wait3A_460 : memref<1x1x1x4x768xf32, #tpu.memory_space<hbm>> -> memref<4x768xf32, #tpu.memory_space<hbm>>
    %dma_wait3A_462 = arith.constant 4 : i32
    %dma_wait3A_463 = arith.constant 0 : i32
    %dma_wait3A_464 = tpu.memref_slice %arg9[%dma_wait3A_462, %dma_wait3A_463] : memref<8x768xf32, #tpu.memory_space<vmem>> -> memref<4x768xf32, #tpu.memory_space<vmem>>
    tpu.wait_dma2 semaphore(%arg12 : memref<!tpu.dma_semaphore, #tpu.memory_space<semaphore_mem>>) src(%dma_wait3A_464 : memref<4x768xf32, #tpu.memory_space<vmem>>) dst(%dma_wait3A_461 : memref<4x768xf32, #tpu.memory_space<hbm>>)
    %dma_wait3A_465 = arith.constant 1 : i32
    %dma_wait3A_466 = arith.constant 0 : i32
    %dma_wait3A_467 = arith.constant 0 : i32
    %dma_wait3A_468 = arith.constant 0 : i32
    %dma_wait3A_469 = tpu.memref_slice %arg10[%dma_wait3A_467, %dma_wait3A_468] : memref<8x768xf32, #tpu.memory_space<vmem>> -> memref<4x768xf32, #tpu.memory_space<vmem>>
    %dma_wait3A_470 = arith.constant 0 : i32
    %dma_wait3A_471 = arith.constant 0 : i32
    %dma_wait3A_472 = tpu.memref_slice %arg6[%dma_wait3A_465, %dma_wait3A_466, %add3A_153, %dma_wait3A_470, %dma_wait3A_471] : memref<5x2x128x4x768xf32, #tpu.memory_space<hbm>> -> memref<1x1x1x4x768xf32, #tpu.memory_space<hbm>>
    %dma_wait3A_473 = tpu.memref_squeeze %dma_wait3A_472 : memref<1x1x1x4x768xf32, #tpu.memory_space<hbm>> -> memref<4x768xf32, #tpu.memory_space<hbm>>
    %dma_wait3A_474 = arith.constant 0 : i32
    %dma_wait3A_475 = arith.constant 0 : i32
    %dma_wait3A_476 = tpu.memref_slice %arg6[%dma_wait3A_465, %dma_wait3A_466, %add3A_153, %dma_wait3A_474, %dma_wait3A_475] : memref<5x2x128x4x768xf32, #tpu.memory_space<hbm>> -> memref<1x1x1x4x768xf32, #tpu.memory_space<hbm>>
    %dma_wait3A_477 = tpu.memref_squeeze %dma_wait3A_476 : memref<1x1x1x4x768xf32, #tpu.memory_space<hbm>> -> memref<4x768xf32, #tpu.memory_space<hbm>>
    %dma_wait3A_478 = arith.constant 0 : i32
    %dma_wait3A_479 = arith.constant 0 : i32
    %dma_wait3A_480 = tpu.memref_slice %arg10[%dma_wait3A_478, %dma_wait3A_479] : memref<8x768xf32, #tpu.memory_space<vmem>> -> memref<4x768xf32, #tpu.memory_space<vmem>>
    tpu.wait_dma2 semaphore(%arg12 : memref<!tpu.dma_semaphore, #tpu.memory_space<semaphore_mem>>) src(%dma_wait3A_480 : memref<4x768xf32, #tpu.memory_space<vmem>>) dst(%dma_wait3A_477 : memref<4x768xf32, #tpu.memory_space<hbm>>)
    %dma_wait3A_481 = arith.constant 1 : i32
    %dma_wait3A_482 = arith.constant 0 : i32
    %dma_wait3A_483 = arith.constant 0 : i32
    %dma_wait3A_484 = arith.constant 0 : i32
    %dma_wait3A_485 = tpu.memref_slice %arg10[%dma_wait3A_483, %dma_wait3A_484] : memref<8x768xf32, #tpu.memory_space<vmem>> -> memref<4x768xf32, #tpu.memory_space<vmem>>
    %dma_wait3A_486 = arith.constant 0 : i32
    %dma_wait3A_487 = arith.constant 0 : i32
    %dma_wait3A_488 = tpu.memref_slice %arg6[%dma_wait3A_481, %dma_wait3A_482, %add3A_171, %dma_wait3A_486, %dma_wait3A_487] : memref<5x2x128x4x768xf32, #tpu.memory_space<hbm>> -> memref<1x1x1x4x768xf32, #tpu.memory_space<hbm>>
    %dma_wait3A_489 = tpu.memref_squeeze %dma_wait3A_488 : memref<1x1x1x4x768xf32, #tpu.memory_space<hbm>> -> memref<4x768xf32, #tpu.memory_space<hbm>>
    %dma_wait3A_490 = arith.constant 0 : i32
    %dma_wait3A_491 = arith.constant 0 : i32
    %dma_wait3A_492 = tpu.memref_slice %arg6[%dma_wait3A_481, %dma_wait3A_482, %add3A_171, %dma_wait3A_490, %dma_wait3A_491] : memref<5x2x128x4x768xf32, #tpu.memory_space<hbm>> -> memref<1x1x1x4x768xf32, #tpu.memory_space<hbm>>
    %dma_wait3A_493 = tpu.memref_squeeze %dma_wait3A_492 : memref<1x1x1x4x768xf32, #tpu.memory_space<hbm>> -> memref<4x768xf32, #tpu.memory_space<hbm>>
    %dma_wait3A_494 = arith.constant 0 : i32
    %dma_wait3A_495 = arith.constant 0 : i32
    %dma_wait3A_496 = tpu.memref_slice %arg10[%dma_wait3A_494, %dma_wait3A_495] : memref<8x768xf32, #tpu.memory_space<vmem>> -> memref<4x768xf32, #tpu.memory_space<vmem>>
    tpu.wait_dma2 semaphore(%arg12 : memref<!tpu.dma_semaphore, #tpu.memory_space<semaphore_mem>>) src(%dma_wait3A_496 : memref<4x768xf32, #tpu.memory_space<vmem>>) dst(%dma_wait3A_493 : memref<4x768xf32, #tpu.memory_space<hbm>>)
    %dma_wait3A_497 = arith.constant 1 : i32
    %dma_wait3A_498 = arith.constant 0 : i32
    %dma_wait3A_499 = arith.constant 0 : i32
    %dma_wait3A_500 = arith.constant 0 : i32
    %dma_wait3A_501 = tpu.memref_slice %arg10[%dma_wait3A_499, %dma_wait3A_500] : memref<8x768xf32, #tpu.memory_space<vmem>> -> memref<4x768xf32, #tpu.memory_space<vmem>>
    %dma_wait3A_502 = arith.constant 0 : i32
    %dma_wait3A_503 = arith.constant 0 : i32
    %dma_wait3A_504 = tpu.memref_slice %arg6[%dma_wait3A_497, %dma_wait3A_498, %add3A_189, %dma_wait3A_502, %dma_wait3A_503] : memref<5x2x128x4x768xf32, #tpu.memory_space<hbm>> -> memref<1x1x1x4x768xf32, #tpu.memory_space<hbm>>
    %dma_wait3A_505 = tpu.memref_squeeze %dma_wait3A_504 : memref<1x1x1x4x768xf32, #tpu.memory_space<hbm>> -> memref<4x768xf32, #tpu.memory_space<hbm>>
    %dma_wait3A_506 = arith.constant 0 : i32
    %dma_wait3A_507 = arith.constant 0 : i32
    %dma_wait3A_508 = tpu.memref_slice %arg6[%dma_wait3A_497, %dma_wait3A_498, %add3A_189, %dma_wait3A_506, %dma_wait3A_507] : memref<5x2x128x4x768xf32, #tpu.memory_space<hbm>> -> memref<1x1x1x4x768xf32, #tpu.memory_space<hbm>>
    %dma_wait3A_509 = tpu.memref_squeeze %dma_wait3A_508 : memref<1x1x1x4x768xf32, #tpu.memory_space<hbm>> -> memref<4x768xf32, #tpu.memory_space<hbm>>
    %dma_wait3A_510 = arith.constant 0 : i32
    %dma_wait3A_511 = arith.constant 0 : i32
    %dma_wait3A_512 = tpu.memref_slice %arg10[%dma_wait3A_510, %dma_wait3A_511] : memref<8x768xf32, #tpu.memory_space<vmem>> -> memref<4x768xf32, #tpu.memory_space<vmem>>
    tpu.wait_dma2 semaphore(%arg12 : memref<!tpu.dma_semaphore, #tpu.memory_space<semaphore_mem>>) src(%dma_wait3A_512 : memref<4x768xf32, #tpu.memory_space<vmem>>) dst(%dma_wait3A_509 : memref<4x768xf32, #tpu.memory_space<hbm>>)
    %dma_wait3A_513 = arith.constant 1 : i32
    %dma_wait3A_514 = arith.constant 0 : i32
    %dma_wait3A_515 = arith.constant 0 : i32
    %dma_wait3A_516 = arith.constant 0 : i32
    %dma_wait3A_517 = tpu.memref_slice %arg10[%dma_wait3A_515, %dma_wait3A_516] : memref<8x768xf32, #tpu.memory_space<vmem>> -> memref<4x768xf32, #tpu.memory_space<vmem>>
    %dma_wait3A_518 = arith.constant 0 : i32
    %dma_wait3A_519 = arith.constant 0 : i32
    %dma_wait3A_520 = tpu.memref_slice %arg6[%dma_wait3A_513, %dma_wait3A_514, %add3A_207, %dma_wait3A_518, %dma_wait3A_519] : memref<5x2x128x4x768xf32, #tpu.memory_space<hbm>> -> memref<1x1x1x4x768xf32, #tpu.memory_space<hbm>>
    %dma_wait3A_521 = tpu.memref_squeeze %dma_wait3A_520 : memref<1x1x1x4x768xf32, #tpu.memory_space<hbm>> -> memref<4x768xf32, #tpu.memory_space<hbm>>
    %dma_wait3A_522 = arith.constant 0 : i32
    %dma_wait3A_523 = arith.constant 0 : i32
    %dma_wait3A_524 = tpu.memref_slice %arg6[%dma_wait3A_513, %dma_wait3A_514, %add3A_207, %dma_wait3A_522, %dma_wait3A_523] : memref<5x2x128x4x768xf32, #tpu.memory_space<hbm>> -> memref<1x1x1x4x768xf32, #tpu.memory_space<hbm>>
    %dma_wait3A_525 = tpu.memref_squeeze %dma_wait3A_524 : memref<1x1x1x4x768xf32, #tpu.memory_space<hbm>> -> memref<4x768xf32, #tpu.memory_space<hbm>>
    %dma_wait3A_526 = arith.constant 0 : i32
    %dma_wait3A_527 = arith.constant 0 : i32
    %dma_wait3A_528 = tpu.memref_slice %arg10[%dma_wait3A_526, %dma_wait3A_527] : memref<8x768xf32, #tpu.memory_space<vmem>> -> memref<4x768xf32, #tpu.memory_space<vmem>>
    tpu.wait_dma2 semaphore(%arg12 : memref<!tpu.dma_semaphore, #tpu.memory_space<semaphore_mem>>) src(%dma_wait3A_528 : memref<4x768xf32, #tpu.memory_space<vmem>>) dst(%dma_wait3A_525 : memref<4x768xf32, #tpu.memory_space<hbm>>)
    %dma_wait3A_529 = arith.constant 1 : i32
    %dma_wait3A_530 = arith.constant 1 : i32
    %dma_wait3A_531 = arith.constant 4 : i32
    %dma_wait3A_532 = arith.constant 0 : i32
    %dma_wait3A_533 = tpu.memref_slice %arg10[%dma_wait3A_531, %dma_wait3A_532] : memref<8x768xf32, #tpu.memory_space<vmem>> -> memref<4x768xf32, #tpu.memory_space<vmem>>
    %dma_wait3A_534 = arith.constant 0 : i32
    %dma_wait3A_535 = arith.constant 0 : i32
    %dma_wait3A_536 = tpu.memref_slice %arg6[%dma_wait3A_529, %dma_wait3A_530, %add3A_225, %dma_wait3A_534, %dma_wait3A_535] : memref<5x2x128x4x768xf32, #tpu.memory_space<hbm>> -> memref<1x1x1x4x768xf32, #tpu.memory_space<hbm>>
    %dma_wait3A_537 = tpu.memref_squeeze %dma_wait3A_536 : memref<1x1x1x4x768xf32, #tpu.memory_space<hbm>> -> memref<4x768xf32, #tpu.memory_space<hbm>>
    %dma_wait3A_538 = arith.constant 0 : i32
    %dma_wait3A_539 = arith.constant 0 : i32
    %dma_wait3A_540 = tpu.memref_slice %arg6[%dma_wait3A_529, %dma_wait3A_530, %add3A_225, %dma_wait3A_538, %dma_wait3A_539] : memref<5x2x128x4x768xf32, #tpu.memory_space<hbm>> -> memref<1x1x1x4x768xf32, #tpu.memory_space<hbm>>
    %dma_wait3A_541 = tpu.memref_squeeze %dma_wait3A_540 : memref<1x1x1x4x768xf32, #tpu.memory_space<hbm>> -> memref<4x768xf32, #tpu.memory_space<hbm>>
    %dma_wait3A_542 = arith.constant 4 : i32
    %dma_wait3A_543 = arith.constant 0 : i32
    %dma_wait3A_544 = tpu.memref_slice %arg10[%dma_wait3A_542, %dma_wait3A_543] : memref<8x768xf32, #tpu.memory_space<vmem>> -> memref<4x768xf32, #tpu.memory_space<vmem>>
    tpu.wait_dma2 semaphore(%arg12 : memref<!tpu.dma_semaphore, #tpu.memory_space<semaphore_mem>>) src(%dma_wait3A_544 : memref<4x768xf32, #tpu.memory_space<vmem>>) dst(%dma_wait3A_541 : memref<4x768xf32, #tpu.memory_space<hbm>>)
    %dma_wait3A_545 = arith.constant 1 : i32
    %dma_wait3A_546 = arith.constant 1 : i32
    %dma_wait3A_547 = arith.constant 4 : i32
    %dma_wait3A_548 = arith.constant 0 : i32
    %dma_wait3A_549 = tpu.memref_slice %arg10[%dma_wait3A_547, %dma_wait3A_548] : memref<8x768xf32, #tpu.memory_space<vmem>> -> memref<4x768xf32, #tpu.memory_space<vmem>>
    %dma_wait3A_550 = arith.constant 0 : i32
    %dma_wait3A_551 = arith.constant 0 : i32
    %dma_wait3A_552 = tpu.memref_slice %arg6[%dma_wait3A_545, %dma_wait3A_546, %add3A_243, %dma_wait3A_550, %dma_wait3A_551] : memref<5x2x128x4x768xf32, #tpu.memory_space<hbm>> -> memref<1x1x1x4x768xf32, #tpu.memory_space<hbm>>
    %dma_wait3A_553 = tpu.memref_squeeze %dma_wait3A_552 : memref<1x1x1x4x768xf32, #tpu.memory_space<hbm>> -> memref<4x768xf32, #tpu.memory_space<hbm>>
    %dma_wait3A_554 = arith.constant 0 : i32
    %dma_wait3A_555 = arith.constant 0 : i32
    %dma_wait3A_556 = tpu.memref_slice %arg6[%dma_wait3A_545, %dma_wait3A_546, %add3A_243, %dma_wait3A_554, %dma_wait3A_555] : memref<5x2x128x4x768xf32, #tpu.memory_space<hbm>> -> memref<1x1x1x4x768xf32, #tpu.memory_space<hbm>>
    %dma_wait3A_557 = tpu.memref_squeeze %dma_wait3A_556 : memref<1x1x1x4x768xf32, #tpu.memory_space<hbm>> -> memref<4x768xf32, #tpu.memory_space<hbm>>
    %dma_wait3A_558 = arith.constant 4 : i32
    %dma_wait3A_559 = arith.constant 0 : i32
    %dma_wait3A_560 = tpu.memref_slice %arg10[%dma_wait3A_558, %dma_wait3A_559] : memref<8x768xf32, #tpu.memory_space<vmem>> -> memref<4x768xf32, #tpu.memory_space<vmem>>
    tpu.wait_dma2 semaphore(%arg12 : memref<!tpu.dma_semaphore, #tpu.memory_space<semaphore_mem>>) src(%dma_wait3A_560 : memref<4x768xf32, #tpu.memory_space<vmem>>) dst(%dma_wait3A_557 : memref<4x768xf32, #tpu.memory_space<hbm>>)
    %dma_wait3A_561 = arith.constant 1 : i32
    %dma_wait3A_562 = arith.constant 1 : i32
    %dma_wait3A_563 = arith.constant 4 : i32
    %dma_wait3A_564 = arith.constant 0 : i32
    %dma_wait3A_565 = tpu.memref_slice %arg10[%dma_wait3A_563, %dma_wait3A_564] : memref<8x768xf32, #tpu.memory_space<vmem>> -> memref<4x768xf32, #tpu.memory_space<vmem>>
    %dma_wait3A_566 = arith.constant 0 : i32
    %dma_wait3A_567 = arith.constant 0 : i32
    %dma_wait3A_568 = tpu.memref_slice %arg6[%dma_wait3A_561, %dma_wait3A_562, %add3A_261, %dma_wait3A_566, %dma_wait3A_567] : memref<5x2x128x4x768xf32, #tpu.memory_space<hbm>> -> memref<1x1x1x4x768xf32, #tpu.memory_space<hbm>>
    %dma_wait3A_569 = tpu.memref_squeeze %dma_wait3A_568 : memref<1x1x1x4x768xf32, #tpu.memory_space<hbm>> -> memref<4x768xf32, #tpu.memory_space<hbm>>
    %dma_wait3A_570 = arith.constant 0 : i32
    %dma_wait3A_571 = arith.constant 0 : i32
    %dma_wait3A_572 = tpu.memref_slice %arg6[%dma_wait3A_561, %dma_wait3A_562, %add3A_261, %dma_wait3A_570, %dma_wait3A_571] : memref<5x2x128x4x768xf32, #tpu.memory_space<hbm>> -> memref<1x1x1x4x768xf32, #tpu.memory_space<hbm>>
    %dma_wait3A_573 = tpu.memref_squeeze %dma_wait3A_572 : memref<1x1x1x4x768xf32, #tpu.memory_space<hbm>> -> memref<4x768xf32, #tpu.memory_space<hbm>>
    %dma_wait3A_574 = arith.constant 4 : i32
    %dma_wait3A_575 = arith.constant 0 : i32
    %dma_wait3A_576 = tpu.memref_slice %arg10[%dma_wait3A_574, %dma_wait3A_575] : memref<8x768xf32, #tpu.memory_space<vmem>> -> memref<4x768xf32, #tpu.memory_space<vmem>>
    tpu.wait_dma2 semaphore(%arg12 : memref<!tpu.dma_semaphore, #tpu.memory_space<semaphore_mem>>) src(%dma_wait3A_576 : memref<4x768xf32, #tpu.memory_space<vmem>>) dst(%dma_wait3A_573 : memref<4x768xf32, #tpu.memory_space<hbm>>)
    %dma_wait3A_577 = arith.constant 1 : i32
    %dma_wait3A_578 = arith.constant 1 : i32
    %dma_wait3A_579 = arith.constant 4 : i32
    %dma_wait3A_580 = arith.constant 0 : i32
    %dma_wait3A_581 = tpu.memref_slice %arg10[%dma_wait3A_579, %dma_wait3A_580] : memref<8x768xf32, #tpu.memory_space<vmem>> -> memref<4x768xf32, #tpu.memory_space<vmem>>
    %dma_wait3A_582 = arith.constant 0 : i32
    %dma_wait3A_583 = arith.constant 0 : i32
    %dma_wait3A_584 = tpu.memref_slice %arg6[%dma_wait3A_577, %dma_wait3A_578, %add3A_279, %dma_wait3A_582, %dma_wait3A_583] : memref<5x2x128x4x768xf32, #tpu.memory_space<hbm>> -> memref<1x1x1x4x768xf32, #tpu.memory_space<hbm>>
    %dma_wait3A_585 = tpu.memref_squeeze %dma_wait3A_584 : memref<1x1x1x4x768xf32, #tpu.memory_space<hbm>> -> memref<4x768xf32, #tpu.memory_space<hbm>>
    %dma_wait3A_586 = arith.constant 0 : i32
    %dma_wait3A_587 = arith.constant 0 : i32
    %dma_wait3A_588 = tpu.memref_slice %arg6[%dma_wait3A_577, %dma_wait3A_578, %add3A_279, %dma_wait3A_586, %dma_wait3A_587] : memref<5x2x128x4x768xf32, #tpu.memory_space<hbm>> -> memref<1x1x1x4x768xf32, #tpu.memory_space<hbm>>
    %dma_wait3A_589 = tpu.memref_squeeze %dma_wait3A_588 : memref<1x1x1x4x768xf32, #tpu.memory_space<hbm>> -> memref<4x768xf32, #tpu.memory_space<hbm>>
    %dma_wait3A_590 = arith.constant 4 : i32
    %dma_wait3A_591 = arith.constant 0 : i32
    %dma_wait3A_592 = tpu.memref_slice %arg10[%dma_wait3A_590, %dma_wait3A_591] : memref<8x768xf32, #tpu.memory_space<vmem>> -> memref<4x768xf32, #tpu.memory_space<vmem>>
    tpu.wait_dma2 semaphore(%arg12 : memref<!tpu.dma_semaphore, #tpu.memory_space<semaphore_mem>>) src(%dma_wait3A_592 : memref<4x768xf32, #tpu.memory_space<vmem>>) dst(%dma_wait3A_589 : memref<4x768xf32, #tpu.memory_space<hbm>>)
    %dma_wait3A_593 = arith.constant 2 : i32
    %dma_wait3A_594 = arith.constant 0 : i32
    %dma_wait3A_595 = arith.constant 0 : i32
    %dma_wait3A_596 = arith.constant 0 : i32
    %dma_wait3A_597 = arith.constant 0 : i32
    %dma_wait3A_598 = tpu.memref_slice %arg8[%dma_wait3A_595, %dma_wait3A_596, %dma_wait3A_597] : memref<4x8x768xf32, #tpu.memory_space<vmem>> -> memref<4x4x768xf32, #tpu.memory_space<vmem>>
    %dma_wait3A_599 = arith.constant 0 : i32
    %dma_wait3A_600 = arith.constant 0 : i32
    %dma_wait3A_601 = tpu.memref_slice %arg6[%dma_wait3A_593, %dma_wait3A_594, %mul3A_2, %dma_wait3A_599, %dma_wait3A_600] : memref<5x2x128x4x768xf32, #tpu.memory_space<hbm>> -> memref<1x1x4x4x768xf32, #tpu.memory_space<hbm>>
    %dma_wait3A_602 = tpu.memref_squeeze %dma_wait3A_601 : memref<1x1x4x4x768xf32, #tpu.memory_space<hbm>> -> memref<4x4x768xf32, #tpu.memory_space<hbm>>
    %dma_wait3A_603 = arith.constant 0 : i32
    %dma_wait3A_604 = arith.constant 0 : i32
    %dma_wait3A_605 = tpu.memref_slice %arg6[%dma_wait3A_593, %dma_wait3A_594, %mul3A_2, %dma_wait3A_603, %dma_wait3A_604] : memref<5x2x128x4x768xf32, #tpu.memory_space<hbm>> -> memref<1x1x4x4x768xf32, #tpu.memory_space<hbm>>
    %dma_wait3A_606 = tpu.memref_squeeze %dma_wait3A_605 : memref<1x1x4x4x768xf32, #tpu.memory_space<hbm>> -> memref<4x4x768xf32, #tpu.memory_space<hbm>>
    %dma_wait3A_607 = arith.constant 0 : i32
    %dma_wait3A_608 = arith.constant 0 : i32
    %dma_wait3A_609 = arith.constant 0 : i32
    %dma_wait3A_610 = tpu.memref_slice %arg8[%dma_wait3A_607, %dma_wait3A_608, %dma_wait3A_609] : memref<4x8x768xf32, #tpu.memory_space<vmem>> -> memref<4x4x768xf32, #tpu.memory_space<vmem>>
    tpu.wait_dma2 semaphore(%arg12 : memref<!tpu.dma_semaphore, #tpu.memory_space<semaphore_mem>>) src(%dma_wait3A_610 : memref<4x4x768xf32, #tpu.memory_space<vmem>>) dst(%dma_wait3A_606 : memref<4x4x768xf32, #tpu.memory_space<hbm>>)
    %dma_wait3A_611 = arith.constant 2 : i32
    %dma_wait3A_612 = arith.constant 1 : i32
    %dma_wait3A_613 = arith.constant 0 : i32
    %dma_wait3A_614 = arith.constant 4 : i32
    %dma_wait3A_615 = arith.constant 0 : i32
    %dma_wait3A_616 = tpu.memref_slice %arg8[%dma_wait3A_613, %dma_wait3A_614, %dma_wait3A_615] : memref<4x8x768xf32, #tpu.memory_space<vmem>> -> memref<4x4x768xf32, #tpu.memory_space<vmem>>
    %dma_wait3A_617 = arith.constant 0 : i32
    %dma_wait3A_618 = arith.constant 0 : i32
    %dma_wait3A_619 = tpu.memref_slice %arg6[%dma_wait3A_611, %dma_wait3A_612, %mul3A_2, %dma_wait3A_617, %dma_wait3A_618] : memref<5x2x128x4x768xf32, #tpu.memory_space<hbm>> -> memref<1x1x4x4x768xf32, #tpu.memory_space<hbm>>
    %dma_wait3A_620 = tpu.memref_squeeze %dma_wait3A_619 : memref<1x1x4x4x768xf32, #tpu.memory_space<hbm>> -> memref<4x4x768xf32, #tpu.memory_space<hbm>>
    %dma_wait3A_621 = arith.constant 0 : i32
    %dma_wait3A_622 = arith.constant 0 : i32
    %dma_wait3A_623 = tpu.memref_slice %arg6[%dma_wait3A_611, %dma_wait3A_612, %mul3A_2, %dma_wait3A_621, %dma_wait3A_622] : memref<5x2x128x4x768xf32, #tpu.memory_space<hbm>> -> memref<1x1x4x4x768xf32, #tpu.memory_space<hbm>>
    %dma_wait3A_624 = tpu.memref_squeeze %dma_wait3A_623 : memref<1x1x4x4x768xf32, #tpu.memory_space<hbm>> -> memref<4x4x768xf32, #tpu.memory_space<hbm>>
    %dma_wait3A_625 = arith.constant 0 : i32
    %dma_wait3A_626 = arith.constant 4 : i32
    %dma_wait3A_627 = arith.constant 0 : i32
    %dma_wait3A_628 = tpu.memref_slice %arg8[%dma_wait3A_625, %dma_wait3A_626, %dma_wait3A_627] : memref<4x8x768xf32, #tpu.memory_space<vmem>> -> memref<4x4x768xf32, #tpu.memory_space<vmem>>
    tpu.wait_dma2 semaphore(%arg12 : memref<!tpu.dma_semaphore, #tpu.memory_space<semaphore_mem>>) src(%dma_wait3A_628 : memref<4x4x768xf32, #tpu.memory_space<vmem>>) dst(%dma_wait3A_624 : memref<4x4x768xf32, #tpu.memory_space<hbm>>)
    return
  }
}

#map = affine_map<(d0, d1) -> (0, 0, 0)>
#map1 = affine_map<(d0, d1) -> (0, 0)>
#map2 = affine_map<(d0, d1) -> (0, 0, 0, 0, 0)>
module attributes {stable_mosaic.version = 14 : i64} {
  func.func @sc_pool4(%arg0: i32, %arg1: i32, %arg2: memref<8192x8x768xf32, #tpu.memory_space<hbm>>, %arg3: memref<32x16xi32, #tpu.memory_space<hbm>>, %arg4: memref<5x2x128x4x768xf32, #tpu.memory_space<hbm>>, %arg5: memref<5x2x128x4x768xf32, #tpu.memory_space<hbm>>, %arg6: memref<16xi32, #tpu.memory_space<vmem>>, %arg7: memref<4x8x768xf32, #tpu.memory_space<vmem>>, %arg8: memref<!tpu.dma_semaphore, #tpu.memory_space<semaphore_mem>>, %arg9: memref<!tpu.dma_semaphore, #tpu.memory_space<semaphore_mem>>) attributes {dimension_semantics = [#tpu.dimension_semantics<core_parallel>, #tpu.dimension_semantics<subcore_parallel>], iteration_bounds = array<i64: 2, 16>, scalar_prefetch = 0 : i64, scratch_operands = 4 : i64, tpu.core_type = #tpu.core_type<sc_vector_subcore>, window_params = [{transform_indices = #map}, {transform_indices = #map1}, {transform_indices = #map2}, {transform_indices = #map2}]} {
    %mul3A = arith.constant 2 : i32
    %mul3A_0 = arith.muli %arg1, %mul3A : i32
    %add3A = arith.addi %mul3A_0, %arg0 : i32
    %mul3A_1 = arith.constant 4 : i32
    %mul3A_2 = arith.muli %add3A, %mul3A_1 : i32
    "tpu.region"() ({
      %run_scoped3A = tpu.sem_alloc : memref<!tpu.dma_semaphore, #tpu.memory_space<semaphore_mem>>
      %dma_start3A_85 = arith.constant 0 : i32
      %dma_start3A_86 = tpu.memref_slice %arg3[%add3A, %dma_start3A_85] : memref<32x16xi32, #tpu.memory_space<hbm>> -> memref<1x16xi32, #tpu.memory_space<hbm>>
      %dma_start3A_87 = tpu.memref_squeeze %dma_start3A_86 : memref<1x16xi32, #tpu.memory_space<hbm>> -> memref<16xi32, #tpu.memory_space<hbm>>
      %dma_start3A_88 = arith.constant 0 : i32
      %dma_start3A_89 = tpu.memref_slice %arg3[%add3A, %dma_start3A_88] : memref<32x16xi32, #tpu.memory_space<hbm>> -> memref<1x16xi32, #tpu.memory_space<hbm>>
      %dma_start3A_90 = tpu.memref_squeeze %dma_start3A_89 : memref<1x16xi32, #tpu.memory_space<hbm>> -> memref<16xi32, #tpu.memory_space<hbm>>
      tpu.enqueue_dma source(%dma_start3A_90 : memref<16xi32, #tpu.memory_space<hbm>>) target(%arg6 : memref<16xi32, #tpu.memory_space<vmem>>) target_semaphore(%run_scoped3A : memref<!tpu.dma_semaphore, #tpu.memory_space<semaphore_mem>>)
      %dma_wait3A_91 = arith.constant 0 : i32
      %dma_wait3A_92 = tpu.memref_slice %arg3[%add3A, %dma_wait3A_91] : memref<32x16xi32, #tpu.memory_space<hbm>> -> memref<1x16xi32, #tpu.memory_space<hbm>>
      %dma_wait3A_93 = tpu.memref_squeeze %dma_wait3A_92 : memref<1x16xi32, #tpu.memory_space<hbm>> -> memref<16xi32, #tpu.memory_space<hbm>>
      %dma_wait3A_94 = arith.constant 0 : i32
      %dma_wait3A_95 = tpu.memref_slice %arg3[%add3A, %dma_wait3A_94] : memref<32x16xi32, #tpu.memory_space<hbm>> -> memref<1x16xi32, #tpu.memory_space<hbm>>
      %dma_wait3A_96 = tpu.memref_squeeze %dma_wait3A_95 : memref<1x16xi32, #tpu.memory_space<hbm>> -> memref<16xi32, #tpu.memory_space<hbm>>
      tpu.wait_dma2 semaphore(%run_scoped3A : memref<!tpu.dma_semaphore, #tpu.memory_space<semaphore_mem>>) src(%dma_wait3A_96 : memref<16xi32, #tpu.memory_space<hbm>>) dst(%arg6 : memref<16xi32, #tpu.memory_space<vmem>>)
      tpu.yield
    }) : () -> ()
    %dma_start3A = arith.constant 0 : i32
    %dma_start3A_3 = tpu.memref_slice %arg6[%dma_start3A] : memref<16xi32, #tpu.memory_space<vmem>> -> memref<4xi32, #tpu.memory_space<vmem>>
    %dma_start3A_4 = arith.constant 0 : i32
    %dma_start3A_5 = arith.constant 0 : i32
    %dma_start3A_6 = arith.constant 0 : i32
    %dma_start3A_7 = tpu.memref_slice %arg2[%dma_start3A_4, %dma_start3A_5, %dma_start3A_6] : memref<8192x8x768xf32, #tpu.memory_space<hbm>> -> memref<8192x8x768xf32, #tpu.memory_space<hbm>>
    tpu.enqueue_indirect_dma source(%dma_start3A_7 : memref<8192x8x768xf32, #tpu.memory_space<hbm>>) target(%arg7 : memref<4x8x768xf32, #tpu.memory_space<vmem>>) offsets(%dma_start3A_3 : memref<4xi32, #tpu.memory_space<vmem>>) semaphore(%arg8 : memref<!tpu.dma_semaphore, #tpu.memory_space<semaphore_mem>>)
    %dma_wait3A = arith.constant 0 : i32
    %dma_wait3A_8 = tpu.memref_slice %arg6[%dma_wait3A] : memref<16xi32, #tpu.memory_space<vmem>> -> memref<4xi32, #tpu.memory_space<vmem>>
    %dma_wait3A_9 = arith.constant 0 : i32
    %dma_wait3A_10 = arith.constant 0 : i32
    %dma_wait3A_11 = arith.constant 0 : i32
    %dma_wait3A_12 = tpu.memref_slice %arg2[%dma_wait3A_9, %dma_wait3A_10, %dma_wait3A_11] : memref<8192x8x768xf32, #tpu.memory_space<hbm>> -> memref<8192x8x768xf32, #tpu.memory_space<hbm>>
    tpu.wait_indirect_dma semaphore(%arg8 : memref<!tpu.dma_semaphore, #tpu.memory_space<semaphore_mem>>) src(%dma_wait3A_12 : memref<8192x8x768xf32, #tpu.memory_space<hbm>>) dst(%arg7 : memref<4x8x768xf32, #tpu.memory_space<vmem>>)
    %dma_start3A_13 = arith.constant 4 : i32
    %dma_start3A_14 = arith.constant 0 : i32
    %dma_start3A_15 = arith.constant 0 : i32
    %dma_start3A_16 = arith.constant 0 : i32
    %dma_start3A_17 = arith.constant 0 : i32
    %dma_start3A_18 = tpu.memref_slice %arg7[%dma_start3A_15, %dma_start3A_16, %dma_start3A_17] : memref<4x8x768xf32, #tpu.memory_space<vmem>> -> memref<4x4x768xf32, #tpu.memory_space<vmem>>
    %dma_start3A_19 = arith.constant 0 : i32
    %dma_start3A_20 = arith.constant 0 : i32
    %dma_start3A_21 = tpu.memref_slice %arg5[%dma_start3A_13, %dma_start3A_14, %mul3A_2, %dma_start3A_19, %dma_start3A_20] : memref<5x2x128x4x768xf32, #tpu.memory_space<hbm>> -> memref<1x1x4x4x768xf32, #tpu.memory_space<hbm>>
    %dma_start3A_22 = tpu.memref_squeeze %dma_start3A_21 : memref<1x1x4x4x768xf32, #tpu.memory_space<hbm>> -> memref<4x4x768xf32, #tpu.memory_space<hbm>>
    %dma_start3A_23 = arith.constant 0 : i32
    %dma_start3A_24 = arith.constant 0 : i32
    %dma_start3A_25 = tpu.memref_slice %arg5[%dma_start3A_13, %dma_start3A_14, %mul3A_2, %dma_start3A_23, %dma_start3A_24] : memref<5x2x128x4x768xf32, #tpu.memory_space<hbm>> -> memref<1x1x4x4x768xf32, #tpu.memory_space<hbm>>
    %dma_start3A_26 = tpu.memref_squeeze %dma_start3A_25 : memref<1x1x4x4x768xf32, #tpu.memory_space<hbm>> -> memref<4x4x768xf32, #tpu.memory_space<hbm>>
    %dma_start3A_27 = arith.constant 0 : i32
    %dma_start3A_28 = arith.constant 0 : i32
    %dma_start3A_29 = arith.constant 0 : i32
    %dma_start3A_30 = tpu.memref_slice %arg7[%dma_start3A_27, %dma_start3A_28, %dma_start3A_29] : memref<4x8x768xf32, #tpu.memory_space<vmem>> -> memref<4x4x768xf32, #tpu.memory_space<vmem>>
    tpu.enqueue_dma source(%dma_start3A_30 : memref<4x4x768xf32, #tpu.memory_space<vmem>>) target(%dma_start3A_26 : memref<4x4x768xf32, #tpu.memory_space<hbm>>) target_semaphore(%arg9 : memref<!tpu.dma_semaphore, #tpu.memory_space<semaphore_mem>>)
    %dma_start3A_31 = arith.constant 4 : i32
    %dma_start3A_32 = arith.constant 1 : i32
    %dma_start3A_33 = arith.constant 0 : i32
    %dma_start3A_34 = arith.constant 4 : i32
    %dma_start3A_35 = arith.constant 0 : i32
    %dma_start3A_36 = tpu.memref_slice %arg7[%dma_start3A_33, %dma_start3A_34, %dma_start3A_35] : memref<4x8x768xf32, #tpu.memory_space<vmem>> -> memref<4x4x768xf32, #tpu.memory_space<vmem>>
    %dma_start3A_37 = arith.constant 0 : i32
    %dma_start3A_38 = arith.constant 0 : i32
    %dma_start3A_39 = tpu.memref_slice %arg5[%dma_start3A_31, %dma_start3A_32, %mul3A_2, %dma_start3A_37, %dma_start3A_38] : memref<5x2x128x4x768xf32, #tpu.memory_space<hbm>> -> memref<1x1x4x4x768xf32, #tpu.memory_space<hbm>>
    %dma_start3A_40 = tpu.memref_squeeze %dma_start3A_39 : memref<1x1x4x4x768xf32, #tpu.memory_space<hbm>> -> memref<4x4x768xf32, #tpu.memory_space<hbm>>
    %dma_start3A_41 = arith.constant 0 : i32
    %dma_start3A_42 = arith.constant 0 : i32
    %dma_start3A_43 = tpu.memref_slice %arg5[%dma_start3A_31, %dma_start3A_32, %mul3A_2, %dma_start3A_41, %dma_start3A_42] : memref<5x2x128x4x768xf32, #tpu.memory_space<hbm>> -> memref<1x1x4x4x768xf32, #tpu.memory_space<hbm>>
    %dma_start3A_44 = tpu.memref_squeeze %dma_start3A_43 : memref<1x1x4x4x768xf32, #tpu.memory_space<hbm>> -> memref<4x4x768xf32, #tpu.memory_space<hbm>>
    %dma_start3A_45 = arith.constant 0 : i32
    %dma_start3A_46 = arith.constant 4 : i32
    %dma_start3A_47 = arith.constant 0 : i32
    %dma_start3A_48 = tpu.memref_slice %arg7[%dma_start3A_45, %dma_start3A_46, %dma_start3A_47] : memref<4x8x768xf32, #tpu.memory_space<vmem>> -> memref<4x4x768xf32, #tpu.memory_space<vmem>>
    tpu.enqueue_dma source(%dma_start3A_48 : memref<4x4x768xf32, #tpu.memory_space<vmem>>) target(%dma_start3A_44 : memref<4x4x768xf32, #tpu.memory_space<hbm>>) target_semaphore(%arg9 : memref<!tpu.dma_semaphore, #tpu.memory_space<semaphore_mem>>)
    %dma_wait3A_49 = arith.constant 4 : i32
    %dma_wait3A_50 = arith.constant 0 : i32
    %dma_wait3A_51 = arith.constant 0 : i32
    %dma_wait3A_52 = arith.constant 0 : i32
    %dma_wait3A_53 = arith.constant 0 : i32
    %dma_wait3A_54 = tpu.memref_slice %arg7[%dma_wait3A_51, %dma_wait3A_52, %dma_wait3A_53] : memref<4x8x768xf32, #tpu.memory_space<vmem>> -> memref<4x4x768xf32, #tpu.memory_space<vmem>>
    %dma_wait3A_55 = arith.constant 0 : i32
    %dma_wait3A_56 = arith.constant 0 : i32
    %dma_wait3A_57 = tpu.memref_slice %arg5[%dma_wait3A_49, %dma_wait3A_50, %mul3A_2, %dma_wait3A_55, %dma_wait3A_56] : memref<5x2x128x4x768xf32, #tpu.memory_space<hbm>> -> memref<1x1x4x4x768xf32, #tpu.memory_space<hbm>>
    %dma_wait3A_58 = tpu.memref_squeeze %dma_wait3A_57 : memref<1x1x4x4x768xf32, #tpu.memory_space<hbm>> -> memref<4x4x768xf32, #tpu.memory_space<hbm>>
    %dma_wait3A_59 = arith.constant 0 : i32
    %dma_wait3A_60 = arith.constant 0 : i32
    %dma_wait3A_61 = tpu.memref_slice %arg5[%dma_wait3A_49, %dma_wait3A_50, %mul3A_2, %dma_wait3A_59, %dma_wait3A_60] : memref<5x2x128x4x768xf32, #tpu.memory_space<hbm>> -> memref<1x1x4x4x768xf32, #tpu.memory_space<hbm>>
    %dma_wait3A_62 = tpu.memref_squeeze %dma_wait3A_61 : memref<1x1x4x4x768xf32, #tpu.memory_space<hbm>> -> memref<4x4x768xf32, #tpu.memory_space<hbm>>
    %dma_wait3A_63 = arith.constant 0 : i32
    %dma_wait3A_64 = arith.constant 0 : i32
    %dma_wait3A_65 = arith.constant 0 : i32
    %dma_wait3A_66 = tpu.memref_slice %arg7[%dma_wait3A_63, %dma_wait3A_64, %dma_wait3A_65] : memref<4x8x768xf32, #tpu.memory_space<vmem>> -> memref<4x4x768xf32, #tpu.memory_space<vmem>>
    tpu.wait_dma2 semaphore(%arg9 : memref<!tpu.dma_semaphore, #tpu.memory_space<semaphore_mem>>) src(%dma_wait3A_66 : memref<4x4x768xf32, #tpu.memory_space<vmem>>) dst(%dma_wait3A_62 : memref<4x4x768xf32, #tpu.memory_space<hbm>>)
    %dma_wait3A_67 = arith.constant 4 : i32
    %dma_wait3A_68 = arith.constant 1 : i32
    %dma_wait3A_69 = arith.constant 0 : i32
    %dma_wait3A_70 = arith.constant 4 : i32
    %dma_wait3A_71 = arith.constant 0 : i32
    %dma_wait3A_72 = tpu.memref_slice %arg7[%dma_wait3A_69, %dma_wait3A_70, %dma_wait3A_71] : memref<4x8x768xf32, #tpu.memory_space<vmem>> -> memref<4x4x768xf32, #tpu.memory_space<vmem>>
    %dma_wait3A_73 = arith.constant 0 : i32
    %dma_wait3A_74 = arith.constant 0 : i32
    %dma_wait3A_75 = tpu.memref_slice %arg5[%dma_wait3A_67, %dma_wait3A_68, %mul3A_2, %dma_wait3A_73, %dma_wait3A_74] : memref<5x2x128x4x768xf32, #tpu.memory_space<hbm>> -> memref<1x1x4x4x768xf32, #tpu.memory_space<hbm>>
    %dma_wait3A_76 = tpu.memref_squeeze %dma_wait3A_75 : memref<1x1x4x4x768xf32, #tpu.memory_space<hbm>> -> memref<4x4x768xf32, #tpu.memory_space<hbm>>
    %dma_wait3A_77 = arith.constant 0 : i32
    %dma_wait3A_78 = arith.constant 0 : i32
    %dma_wait3A_79 = tpu.memref_slice %arg5[%dma_wait3A_67, %dma_wait3A_68, %mul3A_2, %dma_wait3A_77, %dma_wait3A_78] : memref<5x2x128x4x768xf32, #tpu.memory_space<hbm>> -> memref<1x1x4x4x768xf32, #tpu.memory_space<hbm>>
    %dma_wait3A_80 = tpu.memref_squeeze %dma_wait3A_79 : memref<1x1x4x4x768xf32, #tpu.memory_space<hbm>> -> memref<4x4x768xf32, #tpu.memory_space<hbm>>
    %dma_wait3A_81 = arith.constant 0 : i32
    %dma_wait3A_82 = arith.constant 4 : i32
    %dma_wait3A_83 = arith.constant 0 : i32
    %dma_wait3A_84 = tpu.memref_slice %arg7[%dma_wait3A_81, %dma_wait3A_82, %dma_wait3A_83] : memref<4x8x768xf32, #tpu.memory_space<vmem>> -> memref<4x4x768xf32, #tpu.memory_space<vmem>>
    tpu.wait_dma2 semaphore(%arg9 : memref<!tpu.dma_semaphore, #tpu.memory_space<semaphore_mem>>) src(%dma_wait3A_84 : memref<4x4x768xf32, #tpu.memory_space<vmem>>) dst(%dma_wait3A_80 : memref<4x4x768xf32, #tpu.memory_space<hbm>>)
    return
  }
}

module attributes {stable_mosaic.version = 14 : i64} {
  func.func @_pool_body(%arg0: i32, %arg1: memref<128x768xf32, #tpu.memory_space<vmem>>, %arg2: memref<2048x768xf32, #tpu.memory_space<vmem>>, %arg3: memref<32x16xi32, #tpu.memory_space<vmem>>, %arg4: memref<1x1xf32, #tpu.memory_space<vmem>>, %arg5: memref<128x768xbf16, #tpu.memory_space<vmem>>, %arg6: memref<128x1xf32, #tpu.memory_space<vmem>>, %arg7: memref<128x1xi32, #tpu.memory_space<vmem>>, %arg8: memref<128x1xf32, #tpu.memory_space<vmem>>) attributes {dimension_semantics = [#tpu.dimension_semantics<arbitrary>], iteration_bounds = array<i64: 4>, scalar_prefetch = 0 : i64, scratch_operands = 4 : i64, tpu.core_type = #tpu.core_type<tc>, window_params = [{pipeline_mode = #tpu.pipeline_mode<synchronous>, transform_indices = @transform_0, window_bounds = array<i64: 128, 768>}, {transform_indices = @transform_1, window_bounds = array<i64: 2048, 768>}, {pipeline_mode = #tpu.pipeline_mode<synchronous>, transform_indices = @transform_2, window_bounds = array<i64: 32, 16>}, {pipeline_mode = #tpu.pipeline_mode<synchronous>, transform_indices = @transform_3, window_bounds = array<i64: 1, 1>}]} {
    %eq3A = arith.constant 0 : i32
    %eq3A_0 = arith.cmpi eq, %arg0, %eq3A : i32
    %convert_element_type3A = arith.extui %eq3A_0 : i1 to i32
    %cond3A = arith.constant 0 : i32
    %cond3A_1 = arith.cmpi ne, %convert_element_type3A, %cond3A : i32
    scf.if %cond3A_1 {
      %get3A_64 = arith.constant 0 : index
      %get3A_65 = arith.constant 0 : index
      %get3A_66 = vector.load %arg1[%get3A_64, %get3A_65] : memref<128x768xf32, #tpu.memory_space<vmem>>, vector<128x768xf32>
      %mul3A_67 = arith.mulf %get3A_66, %get3A_66 : vector<128x768xf32>
      %reduce_sum3A_68 = arith.constant dense<0.000000e+00> : vector<128xf32>
      %reduce_sum3A_69 = vector.multi_reduction <add>, %mul3A_67, %reduce_sum3A_68 [1] : vector<128x768xf32> to vector<128xf32>
      %broadcast_in_dim3A_70 = vector.shape_cast %reduce_sum3A_69 : vector<128xf32> to vector<128x1xf32>
      %sqrt3A_71 = math.sqrt %broadcast_in_dim3A_70 : vector<128x1xf32>
      %max3A_72 = arith.constant 9.99999996E-13 : f32
      %max3A_73 = vector.broadcast %max3A_72 : f32 to vector<128x1xf32>
      %max3A_74 = arith.maximumf %sqrt3A_71, %max3A_73 : vector<128x1xf32>
      %div3A_75 = vector.broadcast %max3A_74 : vector<128x1xf32> to vector<128x768xf32>
      %div3A_76 = arith.divf %get3A_66, %div3A_75 : vector<128x768xf32>
      %convert_element_type3A_77 = arith.truncf %div3A_76 : vector<128x768xf32> to vector<128x768xbf16>
      %swap3A_78 = arith.constant 0 : index
      %swap3A_79 = arith.constant 0 : index
      %swap3A_80 = vector.load %arg5[%swap3A_78, %swap3A_79] : memref<128x768xbf16, #tpu.memory_space<vmem>>, vector<128x768xbf16>
      tpu.vector_store %arg5[%swap3A_78, %swap3A_79], %convert_element_type3A_77 {strides = array<i32>} : memref<128x768xbf16, #tpu.memory_space<vmem>>, vector<128x768xbf16>,
      %broadcast_in_dim3A_81 = arith.constant 0xFF800000 : f32
      %broadcast_in_dim3A_82 = vector.broadcast %broadcast_in_dim3A_81 : f32 to vector<128x1xf32>
      %swap3A_83 = arith.constant 0 : index
      %swap3A_84 = arith.constant 0 : index
      %swap3A_85 = vector.load %arg6[%swap3A_83, %swap3A_84] : memref<128x1xf32, #tpu.memory_space<vmem>>, vector<128x1xf32>
      tpu.vector_store %arg6[%swap3A_83, %swap3A_84], %broadcast_in_dim3A_82 {strides = array<i32>} : memref<128x1xf32, #tpu.memory_space<vmem>>, vector<128x1xf32>,
      %broadcast_in_dim3A_86 = arith.constant 0 : i32
      %broadcast_in_dim3A_87 = vector.broadcast %broadcast_in_dim3A_86 : i32 to vector<128x1xi32>
      %swap3A_88 = arith.constant 0 : index
      %swap3A_89 = arith.constant 0 : index
      %swap3A_90 = vector.load %arg7[%swap3A_88, %swap3A_89] : memref<128x1xi32, #tpu.memory_space<vmem>>, vector<128x1xi32>
      tpu.vector_store %arg7[%swap3A_88, %swap3A_89], %broadcast_in_dim3A_87 {strides = array<i32>} : memref<128x1xi32, #tpu.memory_space<vmem>>, vector<128x1xi32>,
      %broadcast_in_dim3A_91 = arith.constant 0.000000e+00 : f32
      %broadcast_in_dim3A_92 = vector.broadcast %broadcast_in_dim3A_91 : f32 to vector<128x1xf32>
      %swap3A_93 = arith.constant 0 : index
      %swap3A_94 = arith.constant 0 : index
      %swap3A_95 = vector.load %arg8[%swap3A_93, %swap3A_94] : memref<128x1xf32, #tpu.memory_space<vmem>>, vector<128x1xf32>
      tpu.vector_store %arg8[%swap3A_93, %swap3A_94], %broadcast_in_dim3A_92 {strides = array<i32>} : memref<128x1xf32, #tpu.memory_space<vmem>>, vector<128x1xf32>,
    } else {
    }
    %mul3A = arith.constant 2048 : i32
    %mul3A_2 = arith.muli %arg0, %mul3A : i32
    %get3A = arith.constant 0 : index
    %get3A_3 = arith.constant 0 : index
    %get3A_4 = vector.load %arg2[%get3A, %get3A_3] : memref<2048x768xf32, #tpu.memory_space<vmem>>, vector<2048x768xf32>
    %mul3A_5 = arith.mulf %get3A_4, %get3A_4 : vector<2048x768xf32>
    %reduce_sum3A = arith.constant dense<0.000000e+00> : vector<2048xf32>
    %reduce_sum3A_6 = vector.multi_reduction <add>, %mul3A_5, %reduce_sum3A [1] : vector<2048x768xf32> to vector<2048xf32>
    %broadcast_in_dim3A = vector.shape_cast %reduce_sum3A_6 : vector<2048xf32> to vector<2048x1xf32>
    %sqrt3A = math.sqrt %broadcast_in_dim3A : vector<2048x1xf32>
    %max3A = arith.constant 9.99999996E-13 : f32
    %max3A_7 = vector.broadcast %max3A : f32 to vector<2048x1xf32>
    %max3A_8 = arith.maximumf %sqrt3A, %max3A_7 : vector<2048x1xf32>
    %div3A = vector.broadcast %max3A_8 : vector<2048x1xf32> to vector<2048x768xf32>
    %div3A_9 = arith.divf %get3A_4, %div3A : vector<2048x768xf32>
    %convert_element_type3A_10 = arith.truncf %div3A_9 : vector<2048x768xf32> to vector<2048x768xbf16>
    %get3A_11 = arith.constant 0 : index
    %get3A_12 = arith.constant 0 : index
    %get3A_13 = vector.load %arg5[%get3A_11, %get3A_12] : memref<128x768xbf16, #tpu.memory_space<vmem>>, vector<128x768xbf16>
    %dot_general3A = arith.constant dense<0.000000e+00> : vector<128x2048xf32>
    %dot_general3A_14 = tpu.matmul %get3A_13, %convert_element_type3A_10, %dot_general3A {dimension_numbers = #tpu.dot_dimension_numbers<[1], [1], [0], [0], [0, 0, 1, 0], [], []>, transpose_lhs_hint = false} : vector<128x768xbf16>, vector<2048x768xbf16>, vector<128x2048xf32> -> vector<128x2048xf32>
    %reduce_max3A = arith.constant dense<0xFF800000> : vector<128xf32>
    %reduce_max3A_15 = vector.multi_reduction <maximumf>, %dot_general3A_14, %reduce_max3A [1] : vector<128x2048xf32> to vector<128xf32>
    %broadcast_in_dim3A_16 = vector.shape_cast %reduce_max3A_15 : vector<128xf32> to vector<128x1xf32>
    %iota3A = tpu.iota {dimensions = array<i32: 1>} : vector<128x2048xi32>
    %eq3A_17 = vector.broadcast %broadcast_in_dim3A_16 : vector<128x1xf32> to vector<128x2048xf32>
    %eq3A_18 = arith.cmpf oeq, %dot_general3A_14, %eq3A_17 : vector<128x2048xf32>
    %jit3A = arith.constant 1073741824 : i32
    %broadcast_in_dim3A_19 = vector.broadcast %jit3A : i32 to vector<128x2048xi32>
    %select_n3A = arith.select %eq3A_18, %iota3A, %broadcast_in_dim3A_19 : vector<128x2048xi1>, vector<128x2048xi32>
    %reduce_min3A = arith.constant dense<2147483647> : vector<128xi32>
    %reduce_min3A_20 = vector.multi_reduction <minsi>, %select_n3A, %reduce_min3A [1] : vector<128x2048xi32> to vector<128xi32>
    %broadcast_in_dim3A_21 = vector.shape_cast %reduce_min3A_20 : vector<128xi32> to vector<128x1xi32>
    %reduce_sum3A_22 = arith.constant dense<0.000000e+00> : vector<2048xf32>
    %reduce_sum3A_23 = vector.multi_reduction <add>, %dot_general3A_14, %reduce_sum3A_22 [0] : vector<128x2048xf32> to vector<2048xf32>
    %broadcast_in_dim3A_24 = vector.shape_cast %reduce_sum3A_23 : vector<2048xf32> to vector<1x2048xf32>
    %eq3A_25 = vector.broadcast %broadcast_in_dim3A_21 : vector<128x1xi32> to vector<128x2048xi32>
    %eq3A_26 = arith.cmpi eq, %iota3A, %eq3A_25 : vector<128x2048xi32>
    %jit3A_27 = arith.constant 0.000000e+00 : f32
    %broadcast_in_dim3A_28 = vector.shape_cast %broadcast_in_dim3A_24 : vector<1x2048xf32> to vector<1x2048xf32>
    %broadcast_in_dim3A_29 = vector.broadcast %broadcast_in_dim3A_28 : vector<1x2048xf32> to vector<128x2048xf32>
    %broadcast_in_dim3A_30 = vector.broadcast %jit3A_27 : f32 to vector<128x2048xf32>
    %select_n3A_31 = arith.select %eq3A_26, %broadcast_in_dim3A_29, %broadcast_in_dim3A_30 : vector<128x2048xi1>, vector<128x2048xf32>
    %reduce_sum3A_32 = arith.constant dense<0.000000e+00> : vector<128xf32>
    %reduce_sum3A_33 = vector.multi_reduction <add>, %select_n3A_31, %reduce_sum3A_32 [1] : vector<128x2048xf32> to vector<128xf32>
    %broadcast_in_dim3A_34 = vector.shape_cast %reduce_sum3A_33 : vector<128xf32> to vector<128x1xf32>
    %get3A_35 = arith.constant 0 : index
    %get3A_36 = arith.constant 0 : index
    %get3A_37 = vector.load %arg6[%get3A_35, %get3A_36] : memref<128x1xf32, #tpu.memory_space<vmem>>, vector<128x1xf32>
    %gt3A = arith.cmpf ogt, %broadcast_in_dim3A_16, %get3A_37 : vector<128x1xf32>
    %add3A = vector.broadcast %mul3A_2 : i32 to vector<128x1xi32>
    %add3A_38 = arith.addi %broadcast_in_dim3A_21, %add3A : vector<128x1xi32>
    %get3A_39 = arith.constant 0 : index
    %get3A_40 = arith.constant 0 : index
    %get3A_41 = vector.load %arg7[%get3A_39, %get3A_40] : memref<128x1xi32, #tpu.memory_space<vmem>>, vector<128x1xi32>
    %select_n3A_42 = arith.select %gt3A, %add3A_38, %get3A_41 : vector<128x1xi1>, vector<128x1xi32>
    %swap3A = arith.constant 0 : index
    %swap3A_43 = arith.constant 0 : index
    %swap3A_44 = vector.load %arg7[%swap3A, %swap3A_43] : memref<128x1xi32, #tpu.memory_space<vmem>>, vector<128x1xi32>
    tpu.vector_store %arg7[%swap3A, %swap3A_43], %select_n3A_42 {strides = array<i32>} : memref<128x1xi32, #tpu.memory_space<vmem>>, vector<128x1xi32>,
    %get3A_45 = arith.constant 0 : index
    %get3A_46 = arith.constant 0 : index
    %get3A_47 = vector.load %arg6[%get3A_45, %get3A_46] : memref<128x1xf32, #tpu.memory_space<vmem>>, vector<128x1xf32>
    %select_n3A_48 = arith.select %gt3A, %broadcast_in_dim3A_16, %get3A_47 : vector<128x1xi1>, vector<128x1xf32>
    %swap3A_49 = arith.constant 0 : index
    %swap3A_50 = arith.constant 0 : index
    %swap3A_51 = vector.load %arg6[%swap3A_49, %swap3A_50] : memref<128x1xf32, #tpu.memory_space<vmem>>, vector<128x1xf32>
    tpu.vector_store %arg6[%swap3A_49, %swap3A_50], %select_n3A_48 {strides = array<i32>} : memref<128x1xf32, #tpu.memory_space<vmem>>, vector<128x1xf32>,
    %get3A_52 = arith.constant 0 : index
    %get3A_53 = arith.constant 0 : index
    %get3A_54 = vector.load %arg8[%get3A_52, %get3A_53] : memref<128x1xf32, #tpu.memory_space<vmem>>, vector<128x1xf32>
    %select_n3A_55 = arith.select %gt3A, %broadcast_in_dim3A_34, %get3A_54 : vector<128x1xi1>, vector<128x1xf32>
    %swap3A_56 = arith.constant 0 : index
    %swap3A_57 = arith.constant 0 : index
    %swap3A_58 = vector.load %arg8[%swap3A_56, %swap3A_57] : memref<128x1xf32, #tpu.memory_space<vmem>>, vector<128x1xf32>
    tpu.vector_store %arg8[%swap3A_56, %swap3A_57], %select_n3A_55 {strides = array<i32>} : memref<128x1xf32, #tpu.memory_space<vmem>>, vector<128x1xf32>,
    %eq3A_59 = arith.constant 3 : i32
    %eq3A_60 = arith.cmpi eq, %arg0, %eq3A_59 : i32
    %convert_element_type3A_61 = arith.extui %eq3A_60 : i1 to i32
    %cond3A_62 = arith.constant 0 : i32
    %cond3A_63 = arith.cmpi ne, %convert_element_type3A_61, %cond3A_62 : i32
    scf.if %cond3A_63 {
      %get3A_64 = arith.constant 0 : index
      %get3A_65 = arith.constant 0 : index
      %get3A_66 = vector.load %arg7[%get3A_64, %get3A_65] : memref<128x1xi32, #tpu.memory_space<vmem>>, vector<128x1xi32>
      %reshape3A = vector.shape_cast %get3A_66 : vector<128x1xi32> to vector<32x4xi32>
      %broadcast_in_dim3A_67 = arith.constant 0 : i32
      %broadcast_in_dim3A_68 = vector.broadcast %broadcast_in_dim3A_67 : i32 to vector<32x12xi32>
      %concatenate3A = tpu.concatenate %reshape3A, %broadcast_in_dim3A_68 in 1 : vector<32x4xi32>, vector<32x12xi32> -> vector<32x16xi32>
      %swap3A_69 = arith.constant 0 : index
      %swap3A_70 = arith.constant 0 : index
      %swap3A_71 = vector.load %arg3[%swap3A_69, %swap3A_70] : memref<32x16xi32, #tpu.memory_space<vmem>>, vector<32x16xi32>
      tpu.vector_store %arg3[%swap3A_69, %swap3A_70], %concatenate3A {strides = array<i32>} : memref<32x16xi32, #tpu.memory_space<vmem>>, vector<32x16xi32>,
      %get3A_72 = arith.constant 0 : index
      %get3A_73 = arith.constant 0 : index
      %get3A_74 = vector.load %arg8[%get3A_72, %get3A_73] : memref<128x1xf32, #tpu.memory_space<vmem>>, vector<128x1xf32>
      %reduce_sum3A_75 = vector.shape_cast %get3A_74 : vector<128x1xf32> to vector<1x128x1xf32>
      %reduce_sum3A_76 = arith.constant dense<0.000000e+00> : vector<1xf32>
      %reduce_sum3A_77 = vector.multi_reduction <add>, %reduce_sum3A_75, %reduce_sum3A_76 [1, 2] : vector<1x128x1xf32> to vector<1xf32>
      %reduce_sum3A_78 = vector.shape_cast %reduce_sum3A_77 : vector<1xf32> to vector<1x1x1xf32>
      %reduce_sum3A_79 = vector.extract %reduce_sum3A_78[0, 0, 0] : f32 from vector<1x1x1xf32>
      %broadcast_in_dim3A_80 = vector.broadcast %reduce_sum3A_79 : f32 to vector<1x1xf32>
      %div3A_81 = arith.constant 1.638400e+04 : f32
      %div3A_82 = vector.broadcast %div3A_81 : f32 to vector<1x1xf32>
      %div3A_83 = arith.divf %broadcast_in_dim3A_80, %div3A_82 : vector<1x1xf32>
      %sub3A = arith.constant 1.000000e+00 : f32
      %sub3A_84 = vector.broadcast %sub3A : f32 to vector<1x1xf32>
      %sub3A_85 = arith.subf %sub3A_84, %div3A_83 : vector<1x1xf32>
      %swap3A_86 = arith.constant 0 : index
      %swap3A_87 = arith.constant 0 : index
      %swap3A_88 = vector.load %arg4[%swap3A_86, %swap3A_87] : memref<1x1xf32, #tpu.memory_space<vmem>>, vector<1x1xf32>
      tpu.vector_store %arg4[%swap3A_86, %swap3A_87], %sub3A_85 {strides = array<i32>} : memref<1x1xf32, #tpu.memory_space<vmem>>, vector<1x1xf32>,
    } else {
    }
    return
  }
  func.func @transform_0(%arg0: i32) -> (i32, i32) {
    %c0_i32 = arith.constant 0 : i32
    %c0_i32_0 = arith.constant 0 : i32
    %c0_i32_1 = arith.constant 0 : i32
    return %c0_i32, %c0_i32_0 : i32, i32
  }
  func.func @transform_1(%arg0: i32) -> (i32, i32) {
    %c0_i32 = arith.constant 0 : i32
    %c0_i32_0 = arith.constant 0 : i32
    return %arg0, %c0_i32 : i32, i32
  }
  func.func @transform_2(%arg0: i32) -> (i32, i32) {
    %c0_i32 = arith.constant 0 : i32
    %c0_i32_0 = arith.constant 0 : i32
    %c0_i32_1 = arith.constant 0 : i32
    return %c0_i32, %c0_i32_0 : i32, i32
  }
  func.func @transform_3(%arg0: i32) -> (i32, i32) {
    %c0_i32 = arith.constant 0 : i32
    %c0_i32_0 = arith.constant 0 : i32
    %c0_i32_1 = arith.constant 0 : i32
    return %c0_i32, %c0_i32_0 : i32, i32
  }
}

</mosaic_0001>

<sc_bundles>
// kernel: sc_bcast_pool2.3.cloned.1.call-start
scs
__scs_entry_jumppad:
0x0: {  	(pc) =	sbr.rel $0x88, $3  }
0x1: {  	(tag) =	ssettag $0x0;
	lr =	simm.s32 $0x1  }
0x2: {  	[smem:$0x3F98] =	sst lr;
	_ =	strace $0xD0000000  }
0x3: {  	_ = 	snop  }
0x4: {  	_ = 	snop  }
0x5: {  	_ = 	snop  }
0x6: {  	_ = 	snop  }
0x7: {  	_ = 	snop  }
__scs_overlays_trampoline_lowered:
0x8: {  	[smem:$0x3FA7] =	sst s0  }
0x9: {  	[smem:$0x3FA8] =	sst s1  }
0xa: {  	[smem:$0x3FA9] =	sst s2  }
0xb: {  	[smem:$0x3FAA] =	sst s3  }
0xc: {  	[smem:$0x3FAB] =	sst s4  }
0xd: {  	[smem:$0x3FAC] =	sst s5  }
0xe: {  	[smem:$0x3FAD] =	sst s6  }
0xf: {  	[smem:$0x3FAE] =	sst s7  }
0x10: {  	[smem:$0x3FAF] =	sst s8  }
0x11: {  	[smem:$0x3FB0] =	sst s9;
	s0 =	simm.s32 @!p0 $0x0  }
0x12: {  	s1 =	sld [smem:$0x3F96];
	s0 =	simm.s32 @p0 $0x1  }
0x13: {  	[smem:$0x3FB1] =	sst s0;
	s0 =	simm.s32 @!p1 $0x0  }
0x14: {  	s2 =	sld [smem:$0x3F95];
	s0 =	simm.s32 @p1 $0x1  }
0x15: {  	[smem:$0x3FB2] =	sst s0;
	s0 =	simm.s32 @!p2 $0x0  }
0x16: {  	s3 =	sld [smem:$0x3FDB];
	s0 =	simm.s32 @p2 $0x1  }
0x17: {  	s4 =	simm.s32 $0x1BF5;
	[smem:$0x3FB4] =	sst s0  }
0x18: {  	s0 =	sld [smem:$0x3F97];
	_ =	swait.ge [sflag:s4], $0x0  }
0x19: {  	s7 =	sld [smem:$0x3F98]  }
0x1a: {  	s8 =	sadd.s32 $0xFFFFE003, lr  }
0x1b: {  	s9 =	sadd.s32 $0xFFFFFEF7, lr;
	s5 =	simm.s32 $0xFFFFFFFF;
	p2 =	slt.u32 s8, $0xFFFFF086  }
0x1c: {  	p1 =	slt.u32 s9, $0xF7A;
	s5 =	simm.s32 @!p2 $0x0  }
0x1d: {  	s5 =	simm.s32 @p1 $0x1;
	p0 =	seq.s32 s7, s2  }
0x1e: {  	s7 =	smul.u32 @!p0 $0xF7A, s2;
	p2 =	seq.s32 @!p0 s5, $0x0  }
0x1f: {  	s9 =	smul.u32 $0xF7A, s1;
	s8 =	simm.s32 @!p0 $0x1BF5;
	p2 =	por !p2, p0  }
0x20: {  	[sflag:s8] =	ssyncset.s32 @!p0 $0xFFFFF086;
	s6 =	sadd.s32 @!p0 s3, s7;
	s7 =	simm.s32 @!p0 $0x108  }
0x21: {  	s3 =	sadd.s32 s3, s9;
	s6 =	sadd.s32 @!p0 $0x88, s6;
	s7 =	simm.s32 @p2 $0x1082  }
0x22: {  	[simem:s7], [sflag:s8] =	dma.local @!p0 [hbm:s6], $0xF7A  }
0x23: {  	s9 =	sor.u32 $0xD0000000, s2;
	s6 =	simm.s32 $0x108;
	_ =	swait.ge @!p0 [sflag:s8], $0x0  }
0x24: {  	s3 =	sadd.s32 $0x88, s3;
	s6 =	simm.s32 @!p1 $0x1082;
	[sflag:s4] =	ssyncset.s32 $0xFFFFF086  }
0x25: {  	[simem:s6], [sflag:s4] =	dma.local [hbm:s3], $0xF7A  }
0x26: {  	[smem:$0x3F98] =	sst s1;
	(tag) =	ssettag s2;
	_ =	strace s9  }
0x27: {  	s1 =	sld [smem:$0x3FA8]  }
0x28: {  	s2 =	sld [smem:$0x3FA9]  }
0x29: {  	s4 =	sld [smem:$0x3FAB]  }
0x2a: {  	p0 =	seq.s32 s5, $0x0;
	s5 =	sld [smem:$0x3FAC]  }
0x2b: {  	s6 =	sld [smem:$0x3FAD]  }
0x2c: {  	s7 =	sld [smem:$0x3FAE]  }
0x2d: {  	s3 =	simm.s32 $0x108;
	s8 =	sld [smem:$0x3FAF]  }
0x2e: {  	s3 =	simm.s32 @!p0 $0x1082;
	s9 =	sld [smem:$0x3FB0]  }
0x2f: {  	lr =	sadd.s32 s0, s3;
	s0 =	sld [smem:$0x3FA7]  }
0x30: {  	s3 =	sld [smem:$0x3FAA]  }
0x31: {  	[smem:$0x3FB3] =	sst s10  }
0x32: {  	s10 =	sld [smem:$0x3FB1];
	_ =	sdelay $0x3  }
0x33: {  	p0 =	seq.s32 s10, $0x1;
	s10 =	sld [smem:$0x3FB3];
	_ =	sdelay $0x3  }
0x34: {  	[smem:$0x3FB3] =	sst s10  }
0x35: {  	s10 =	sld [smem:$0x3FB2];
	_ =	sdelay $0x3  }
0x36: {  	p1 =	seq.s32 s10, $0x1;
	s10 =	sld [smem:$0x3FB3];
	_ =	sdelay $0x3  }
0x37: {  	[smem:$0x3FB3] =	sst s10  }
0x38: {  	s10 =	sld [smem:$0x3FB4]  }
0x39: {  	_ = 	snop;
	(pc) =	sbr.ind lr, $3  }
0x3a: {  	_ = 	snop  }
0x3b: {  	_ = 	snop  }
0x3c: {  	p2 =	seq.s32 s10, $0x1;
	s10 =	sld [smem:$0x3FB3]  }
0x3d: {  	_ =	shalt  }
0x3e: {  	_ =	shalt  }
0x3f: {  	_ =	shalt  }
0x40: {  	_ =	shalt  }
0x41: {  	_ =	shalt  }
0x42: {  	_ =	shalt  }
0x43: {  	_ =	shalt  }
0x44: {  	_ =	shalt  }
0x45: {  	_ =	shalt  }
0x46: {  	_ =	shalt  }
0x47: {  	_ =	shalt  }
0x48: {  	_ =	shalt  }
0x49: {  	_ =	shalt  }
0x4a: {  	_ =	shalt  }
0x4b: {  	_ =	shalt  }
0x4c: {  	_ =	shalt  }
0x4d: {  	_ =	shalt  }
0x4e: {  	_ =	shalt  }
0x4f: {  	_ =	shalt  }
0x50: {  	_ =	shalt  }
0x51: {  	_ =	shalt  }
0x52: {  	_ =	shalt  }
0x53: {  	_ =	shalt  }
0x54: {  	_ =	shalt  }
0x55: {  	_ =	shalt  }
0x56: {  	_ =	shalt  }
0x57: {  	_ =	shalt  }
0x58: {  	_ =	shalt  }
0x59: {  	_ =	shalt  }
0x5a: {  	_ =	shalt  }
0x5b: {  	_ =	shalt  }
0x5c: {  	_ =	shalt  }
0x5d: {  	_ =	shalt  }
0x5e: {  	_ =	shalt  }
0x5f: {  	_ =	shalt  }
0x60: {  	_ =	shalt  }
0x61: {  	_ =	shalt  }
0x62: {  	_ =	shalt  }
0x63: {  	_ =	shalt  }
0x64: {  	_ =	shalt  }
0x65: {  	_ =	shalt  }
0x66: {  	_ =	shalt  }
0x67: {  	_ =	shalt  }
0x68: {  	_ =	shalt  }
0x69: {  	_ =	shalt  }
0x6a: {  	_ =	shalt  }
0x6b: {  	_ =	shalt  }
0x6c: {  	_ =	shalt  }
0x6d: {  	_ =	shalt  }
0x6e: {  	_ =	shalt  }
0x6f: {  	_ =	shalt  }
0x70: {  	_ =	shalt  }
0x71: {  	_ =	shalt  }
0x72: {  	_ =	shalt  }
0x73: {  	_ =	shalt  }
0x74: {  	_ =	shalt  }
0x75: {  	_ =	shalt  }
0x76: {  	_ =	shalt  }
0x77: {  	_ =	shalt  }
0x78: {  	_ =	shalt  }
0x79: {  	_ =	shalt  }
0x7a: {  	_ =	shalt  }
0x7b: {  	_ =	shalt  }
0x7c: {  	_ =	shalt  }
0x7d: {  	_ =	shalt  }
0x7e: {  	_ =	shalt  }
0x7f: {  	_ =	shalt  }
0x80: {  	_ =	shalt  }
0x81: {  	_ =	shalt  }
0x82: {  	_ =	shalt  }
0x83: {  	_ =	shalt  }
0x84: {  	_ =	shalt  }
0x85: {  	_ =	shalt  }
0x86: {  	_ =	shalt  }
0x87: {  	_ =	shalt  }
.Lfunc_end0:
.L_simem_size_0:
called_computation_lowered:
.L_overlay_start_0:
0x88: {  	s2 =	sld [smem:$0x3FD9]  }
0x89: {  	s3 =	sld [smem:$0x3FFE];
	_ =	sdelay $0x1  }
0x8a: {  	s1 =	srdreg.scid  }
0x8b: {  	s0 =	sand.u32 $0x1, s1  }
0x8c: {  	s14 =	sshll.u32 s0, $0xA;
	s2 =	sadd.s32 s3, s2  }
0x8d: {  	s2 =	sadd.s32 s2, s14  }
0x8e: {  	[smem:$0x3FBF] =	sst s2  }
0x8f: {  	_ = 	snop  }
0x90: {  	s2 =	sld [smem:$0x3FD0]  }
0x91: {  	s15 =	sld [smem:$0x3FC8]  }
0x92: {  	s4 =	sld [smem:$0x3FC7]  }
0x93: {  	s6 =	simm.s32 $0xA;
	s7 =	simm.s32 $0x10;
	s5 =	sld [smem:$0x3FC6]  }
0x94: {  	[smem:s7], [sflag:s6] =	dma.local [hbm:s2], $0x1  }
0x95: {  	_ =	swait.eq [sflag:s6], $0x1  }
0x96: {  	[sflag:s6] =	ssyncset.done $0x0  }
0x97: {  	[sflag:s6] =	ssyncadd.s32 $0xFFFFFFFF  }
0x98: {  	s16 =	sld [smem:$0x10];
	(tm) =	ssettm $0x1  }
0x99: {  	s17 =	sld [smem:$0x3FFB];
	_ =	sdelay $0x3  }
0x9a: {  	_ =	strace s17  }
0x9b: {  	s6 =	sld [smem:$0x3FFC];
	_ =	sdelay $0x3  }
0x9c: {  	_ =	strace s6  }
0x9d: {  	s6 =	sld [smem:$0x3FFD];
	_ =	sdelay $0x3  }
0x9e: {  	_ =	strace s6  }
0x9f: {  	_ =	strace $0x8FFFFFFF  }
0xa0: {  	s18 =	sld [smem:$0x3FDB];
	_ =	sdelay $0x1  }
0xa1: {  	s19 =	simm.s32 $_scs_section_size  }
0xa2: {  	s8 =	simm.s32 $_size__tile_overlayer_lowered;
	s9 =	simm.s32 $_tile_overlayer_lowered  }
0xa3: {  	s22 =	simm.s32 $0x1BFF;
	s21 =	sshll.u32 s9, $0x1;
	s6 =	sadd.s32 s19, s18  }
0xa4: {  	s10 =	simm.s32 $0x0;
	s20 =	sshll.u32 s8, $0x1;
	s8 =	sadd.s32 s21, s6  }
0xa5: {  	[timem:s10], [sflag:s22] =	dma.local [hbm:s8], s20  }
0xa6: {  	_ =	swait.ge [sflag:s22], s20  }
0xa7: {  	s7 =	ssub.s32 $0x0, s20;
	[sflag:s22] =	ssyncset.done $0x0  }
0xa8: {  	[sflag:s22] =	ssyncadd.s32 s7;
	_ =	sdelay $0x1  }
0xa9: {  	s23 =	simm.s32 $0x1B8B  }
0xaa: {  	_ =	swait.ge [sflag:s23], $0x1  }
0xab: {  	[sflag:s23] =	ssyncset.done $0x0  }
0xac: {  	s25 =	simm.s32 $0x1B8E;
	s24 =	sld [smem:$0x3FFE];
	[sflag:s23] =	ssyncadd.s32 $0xFFFFFFFF  }
0xad: {  	s26 =	simm.s32 $execute0_lowered;
	[smem:$0x3FD2] =	sst s25  }
0xae: {  	s8 =	sshll.u32 s26, $0x1;
	_ =	strace $0x80000046;
	[dreg:$0x1] =	wrdreg $0xFFFFFFFF  }
0xaf: {  	s28 =	simm.s32 $_size_execute0_lowered;
	s6 =	sadd.s32 s6, s8;
	[dreg:$0x0] =	wrdreg $0x0  }
0xb0: {  	s8 =	sshll.u32 s28, $0x1;
	[dreg:$0x2] =	wrdreg s6  }
0xb1: {  	[dreg:$0x3] =	wrdreg s8  }
0xb2: {  	[dreg:$0x4] =	wrdreg $0xC0  }
0xb3: {  	_ =	task [dreg:s10], $0x5FFFF  }
0xb4: {  	[dreg:$0x1] =	wrdreg $0xFFFFFFFF  }
0xb5: {  	[dreg:$0x0] =	wrdreg $0x60  }
0xb6: {  	[dreg:$0x2] =	wrdreg s5  }
0xb7: {  	[dreg:$0x3] =	wrdreg s15  }
0xb8: {  	[dreg:$0x4] =	wrdreg s4  }
0xb9: {  	[dreg:$0x5] =	wrdreg s24  }
0xba: {  	[dreg:$0x6] =	wrdreg s16  }
0xbb: {  	[dreg:$0x7] =	wrdreg $0x9  }
0xbc: {  	_ =	task.clear_ibuf [dreg:s10], $0x8FFFF;
	_ =	strace $0x90000046  }
0xbd: {  	s29 =	simm.s32 $0x9;
	_ =	strace $0x80000048  }
0xbe: {  	_ =	swait.ge [sflag:s29], $0x1  }
0xbf: {  	[sflag:s29] =	ssyncadd.s32 $0xFFFFFFFF  }
0xc0: {  	_ =	strace $0x90000048  }
0xc1: {  	_ =	sfence  }
0xc2: {  	s30 =	sld [smem:$0x0];
	_ =	sdelay $0x2  }
0xc3: {  	s31 =	sshll.u32 s1, $0xD;
	s1 =	sshrl.u32 s1, $0x2  }
0xc4: {  	s3 =	sand.u32 $0x4000, s31;
	s1 =	sadd.s32 s1, s30  }
0xc5: {  	s0 =	sor.u32 s3, s0;
	s1 =	sshll.u32 s1, $0x11  }
0xc6: {  	s0 =	sor.u32 s1, s0  }
0xc7: {  	s0 =	sadd.s32 $0x8F2B, s0  }
0xc8: {  	[sflag:s0] =	ssyncadd.remote.s32 $0x1  }
0xc9: {  	_ =	sfence.sel $0xFFFF  }
0xca: {  	[dreg:$0x0] =	wrdreg $0xFFFFFFFF;
	(pc) =	sbr.abs _section_cstart, $3  }
0xcb: {  	[dreg:$0x1] =	wrdreg $0xFFFFFFFF  }
0xcc: {  	_ =	task.clear_ibuf [dreg:s10], $0x2FFFF;
	_ =	strace $0x9FFFFFFF  }
0xcd: {  	(tm) =	ssettm $0x7FFFFFFF  }
tec
execute0_lowered:
.L_overlay_start_1:
0x0: {  	(tag) =	ssettag $0x1  }
0x1: {  	s0 =	rddreg [dreg:$0x3];
	s1 =	srdreg.scid  }
0x2: {  	s3 =	stileid.u32;
	s2 =	rddreg [dreg:$0x4]  }
0x3: {  	s5 =	simm.s32 $0x0;
	s1 =	sand.u32 $0x1, s1;
	s3 =	sshll.u32 s3, $0x1  }
0x4: {  	s26 =	simm.s32 $0x3;
	s29 =	simm.s32 $0x7880;
	s3 =	sor.u32 s1, s3  }
0x5: {  	s1 =	ssub.s32 $0x2, s1;
	s4 =	smul.u32 $0x3000, s3;
	s3 =	sshll.u32 s3, $0x4  }
0x6: {  	[smem:$0x7FF] =	sst s5;
	s30 =	sshrl.u32 s1, $0x1;
	s0 =	sadd.s32 s3, s0  }
0x7: {  	_ =	strace $0x80000047;
	s1 =	ssub.s32 s1, s30;
	s0 =	sadd.s32 $0x2000, s0  }
0x8: {  	s4 =	sshrl.u32 s4, $0x3;
	s31 =	smax.u32 s1, $0x1;
	[dreg:$0x6] =	wrdreg s0  }
0x9: {  	s6 =	sadd.s32 s2, s4;
	[dreg:$0x7] =	wrdreg s31;
	s0 =	simm.s32 $0x2  }
0xa: {  	s2 =	simm.s32 $0x0;
	s8 =	sadd.s32 $0x180, s6;
	s9 =	sadd.s32 $0x300, s6  }
0xb: {  	s10 =	sadd.s32 $0x480, s6;
	s11 =	sadd.s32 $0xC000, s6;
	s12 =	sadd.s32 $0xC180, s6  }
0xc: {  	s13 =	sadd.s32 $0xC300, s6;
	s14 =	sadd.s32 $0xC480, s6;
	s15 =	sadd.s32 $0x18000, s6  }
0xd: {  	s16 =	sadd.s32 $0x18180, s6;
	s17 =	sadd.s32 $0x18300, s6;
	s18 =	sadd.s32 $0x18480, s6  }
0xe: {  	s19 =	sadd.s32 $0x24000, s6;
	s20 =	sadd.s32 $0x24180, s6;
	s21 =	sadd.s32 $0x24300, s6  }
0xf: {  	vm0 =	vmmov $0xf;
	v0 =	vlaneseq.u32;
	s22 =	sadd.s32 $0x24480, s6;
	s23 =	sadd.s32 $0x30000, s6;
	s24 =	sadd.s32 $0x3C000, s6  }
.LBB2_1:
0x10: {  	s3 =	rddreg [dreg:$0x6]  }
0x11: {  	[tilespmem:s5], [sflag:$0x3] =	stream.linear.gather [hbm4b:s3+s5], $0x80, $0x38;
	[tilespmem:$0x9080] =	vst v63  }
0x12: {  	_ =	swait.ge [sflag:s26], $0x80  }
0x13: {  	[sflag:s26] =	ssyncset.done $0x0  }
0x14: {  	[sflag:s26] =	ssyncadd.s32 $0xFFFFFF80  }
0x15: {  	v1 =	vld.msk [tilespmem:$0x0], $0xf;
	_ =	sdelay $0x4  }
0x16: {  	v1 =	vmul.u32 $0x1800, v1;
	_ =	sdelay $0x1  }
0x17: {  	v1 =	vperm.xlane v1, v0;
	_ =	sdelay $0x4  }
0x18: {  	s3 =	simm.s32 $0x80;
	s7 =	rddreg [dreg:$0x0]  }
0x19: {  	[tilespmem:s3], [sflag:$0x1] =	stream.indirect_vreg.gather [hbm4b:s7+s5], $0x1800, v1, vm0, $0x38;
	[tilespmem:$0x9080] =	vst v63  }
0x1a: {  	s28 =	simm.s32 $0x6080;
	s4 =	rddreg [dreg:$0x1]  }
0x1b: {  	[tilespmem:s28], [sflag:$0x3] =	stream.linear.gather [hbm4b:s4+s5], $0x1800, $0x38;
	[tilespmem:$0x9080] =	vst v63  }
0x1c: {  	_ =	swait.ge [sflag:s26], $0x1800  }
0x1d: {  	[sflag:s26] =	ssyncset.done $0x0  }
0x1e: {  	[sflag:s26] =	ssyncadd.s32 $0xFFFFE800  }
0x1f: {  	s25 =	rddreg [dreg:$0x2]  }
0x20: {  	[tilespmem:s29], [sflag:$0x3] =	stream.linear.gather [hbm4b:s25+s5], $0x1800, $0x38;
	[tilespmem:$0x9080] =	vst v63  }
0x21: {  	_ =	swait.ge [sflag:s26], $0x1800  }
0x22: {  	[sflag:s26] =	ssyncset.done $0x0  }
0x23: {  	[sflag:s26] =	ssyncadd.s32 $0xFFFFE800  }
0x24: {  	[hbm4b:s6+s5] =	stream.linear.scatter [tilespmem:s28], [sflag:$0x2], $0x200, $0x38;
	[tilespmem:$0x9080] =	vst v63  }
0x25: {  	s31 =	sadd.s32 $0x40, s6;
	s25 =	simm.s32 $0x6480  }
0x26: {  	[hbm4b:s31+s5] =	stream.linear.scatter [tilespmem:s25], [sflag:$0x2], $0x200, $0x38;
	[tilespmem:$0x9080] =	vst v63  }
0x27: {  	s1 =	sadd.s32 $0x80, s6;
	s30 =	simm.s32 $0x6880  }
0x28: {  	[hbm4b:s1+s5] =	stream.linear.scatter [tilespmem:s30], [sflag:$0x2], $0x200, $0x38;
	[tilespmem:$0x9080] =	vst v63  }
0x29: {  	s4 =	sadd.s32 $0xC0, s6;
	s31 =	simm.s32 $0x6C80  }
0x2a: {  	[hbm4b:s4+s5] =	stream.linear.scatter [tilespmem:s31], [sflag:$0x2], $0x200, $0x38;
	[tilespmem:$0x9080] =	vst v63  }
0x2b: {  	s1 =	sadd.s32 $0x100, s6;
	s4 =	simm.s32 $0x7080  }
0x2c: {  	[hbm4b:s1+s5] =	stream.linear.scatter [tilespmem:s4], [sflag:$0x2], $0x200, $0x38;
	[tilespmem:$0x9080] =	vst v63  }
0x2d: {  	s7 =	sadd.s32 $0x140, s6;
	s1 =	simm.s32 $0x7480  }
0x2e: {  	[hbm4b:s7+s5] =	stream.linear.scatter [tilespmem:s1], [sflag:$0x2], $0x200, $0x38;
	[tilespmem:$0x9080] =	vst v63  }
0x2f: {  	_ = 	snop  }
0x30: {  	[hbm4b:s8+s5] =	stream.linear.scatter [tilespmem:s28], [sflag:$0x2], $0x200, $0x38;
	[tilespmem:$0x9080] =	vst v63  }
0x31: {  	s7 =	sadd.s32 $0x40, s8  }
0x32: {  	[hbm4b:s7+s5] =	stream.linear.scatter [tilespmem:s25], [sflag:$0x2], $0x200, $0x38;
	[tilespmem:$0x9080] =	vst v63  }
0x33: {  	s7 =	sadd.s32 $0x80, s8  }
0x34: {  	[hbm4b:s7+s5] =	stream.linear.scatter [tilespmem:s30], [sflag:$0x2], $0x200, $0x38;
	[tilespmem:$0x9080] =	vst v63  }
0x35: {  	s7 =	sadd.s32 $0xC0, s8  }
0x36: {  	[hbm4b:s7+s5] =	stream.linear.scatter [tilespmem:s31], [sflag:$0x2], $0x200, $0x38;
	[tilespmem:$0x9080] =	vst v63  }
0x37: {  	s7 =	sadd.s32 $0x100, s8  }
0x38: {  	[hbm4b:s7+s5] =	stream.linear.scatter [tilespmem:s4], [sflag:$0x2], $0x200, $0x38;
	[tilespmem:$0x9080] =	vst v63  }
0x39: {  	s7 =	sadd.s32 $0x140, s8  }
0x3a: {  	[hbm4b:s7+s5] =	stream.linear.scatter [tilespmem:s1], [sflag:$0x2], $0x200, $0x38;
	[tilespmem:$0x9080] =	vst v63  }
0x3b: {  	_ = 	snop  }
0x3c: {  	[hbm4b:s9+s5] =	stream.linear.scatter [tilespmem:s28], [sflag:$0x2], $0x200, $0x38;
	[tilespmem:$0x9080] =	vst v63  }
0x3d: {  	s7 =	sadd.s32 $0x40, s9  }
0x3e: {  	[hbm4b:s7+s5] =	stream.linear.scatter [tilespmem:s25], [sflag:$0x2], $0x200, $0x38;
	[tilespmem:$0x9080] =	vst v63  }
0x3f: {  	s7 =	sadd.s32 $0x80, s9  }
0x40: {  	[hbm4b:s7+s5] =	stream.linear.scatter [tilespmem:s30], [sflag:$0x2], $0x200, $0x38;
	[tilespmem:$0x9080] =	vst v63  }
0x41: {  	s7 =	sadd.s32 $0xC0, s9  }
0x42: {  	[hbm4b:s7+s5] =	stream.linear.scatter [tilespmem:s31], [sflag:$0x2], $0x200, $0x38;
	[tilespmem:$0x9080] =	vst v63  }
0x43: {  	s7 =	sadd.s32 $0x100, s9  }
0x44: {  	[hbm4b:s7+s5] =	stream.linear.scatter [tilespmem:s4], [sflag:$0x2], $0x200, $0x38;
	[tilespmem:$0x9080] =	vst v63  }
0x45: {  	s7 =	sadd.s32 $0x140, s9  }
0x46: {  	[hbm4b:s7+s5] =	stream.linear.scatter [tilespmem:s1], [sflag:$0x2], $0x200, $0x38;
	[tilespmem:$0x9080] =	vst v63  }
0x47: {  	_ = 	snop  }
0x48: {  	[hbm4b:s10+s5] =	stream.linear.scatter [tilespmem:s28], [sflag:$0x2], $0x200, $0x38;
	[tilespmem:$0x9080] =	vst v63  }
0x49: {  	s28 =	sadd.s32 $0x40, s10  }
0x4a: {  	[hbm4b:s28+s5] =	stream.linear.scatter [tilespmem:s25], [sflag:$0x2], $0x200, $0x38;
	[tilespmem:$0x9080] =	vst v63  }
0x4b: {  	s25 =	sadd.s32 $0x80, s10  }
0x4c: {  	[hbm4b:s25+s5] =	stream.linear.scatter [tilespmem:s30], [sflag:$0x2], $0x200, $0x38;
	[tilespmem:$0x9080] =	vst v63  }
0x4d: {  	s28 =	sadd.s32 $0xC0, s10  }
0x4e: {  	[hbm4b:s28+s5] =	stream.linear.scatter [tilespmem:s31], [sflag:$0x2], $0x200, $0x38;
	[tilespmem:$0x9080] =	vst v63  }
0x4f: {  	s31 =	sadd.s32 $0x100, s10  }
0x50: {  	[hbm4b:s31+s5] =	stream.linear.scatter [tilespmem:s4], [sflag:$0x2], $0x200, $0x38;
	[tilespmem:$0x9080] =	vst v63  }
0x51: {  	s4 =	sadd.s32 $0x140, s10  }
0x52: {  	[hbm4b:s4+s5] =	stream.linear.scatter [tilespmem:s1], [sflag:$0x2], $0x200, $0x38;
	[tilespmem:$0x9080] =	vst v63  }
0x53: {  	s1 =	simm.s32 $0x6280  }
0x54: {  	[hbm4b:s11+s5] =	stream.linear.scatter [tilespmem:s1], [sflag:$0x2], $0x200, $0x38;
	[tilespmem:$0x9080] =	vst v63  }
0x55: {  	s25 =	sadd.s32 $0x40, s11;
	s4 =	simm.s32 $0x6680  }
0x56: {  	[hbm4b:s25+s5] =	stream.linear.scatter [tilespmem:s4], [sflag:$0x2], $0x200, $0x38;
	[tilespmem:$0x9080] =	vst v63  }
0x57: {  	s28 =	sadd.s32 $0x80, s11;
	s25 =	simm.s32 $0x6A80  }
0x58: {  	[hbm4b:s28+s5] =	stream.linear.scatter [tilespmem:s25], [sflag:$0x2], $0x200, $0x38;
	[tilespmem:$0x9080] =	vst v63  }
0x59: {  	s30 =	simm.s32 $0x6E80;
	s31 =	sadd.s32 $0xC0, s11  }
0x5a: {  	[hbm4b:s31+s5] =	stream.linear.scatter [tilespmem:s30], [sflag:$0x2], $0x200, $0x38;
	[tilespmem:$0x9080] =	vst v63  }
0x5b: {  	s28 =	sadd.s32 $0x100, s11;
	s31 =	simm.s32 $0x7280  }
0x5c: {  	[hbm4b:s28+s5] =	stream.linear.scatter [tilespmem:s31], [sflag:$0x2], $0x200, $0x38;
	[tilespmem:$0x9080] =	vst v63  }
0x5d: {  	s7 =	sadd.s32 $0x140, s11;
	s28 =	simm.s32 $0x7680  }
0x5e: {  	[hbm4b:s7+s5] =	stream.linear.scatter [tilespmem:s28], [sflag:$0x2], $0x200, $0x38;
	[tilespmem:$0x9080] =	vst v63  }
0x5f: {  	_ = 	snop  }
0x60: {  	[hbm4b:s12+s5] =	stream.linear.scatter [tilespmem:s1], [sflag:$0x2], $0x200, $0x38;
	[tilespmem:$0x9080] =	vst v63  }
0x61: {  	s7 =	sadd.s32 $0x40, s12  }
0x62: {  	[hbm4b:s7+s5] =	stream.linear.scatter [tilespmem:s4], [sflag:$0x2], $0x200, $0x38;
	[tilespmem:$0x9080] =	vst v63  }
0x63: {  	s7 =	sadd.s32 $0x80, s12  }
0x64: {  	[hbm4b:s7+s5] =	stream.linear.scatter [tilespmem:s25], [sflag:$0x2], $0x200, $0x38;
	[tilespmem:$0x9080] =	vst v63  }
0x65: {  	s7 =	sadd.s32 $0xC0, s12  }
0x66: {  	[hbm4b:s7+s5] =	stream.linear.scatter [tilespmem:s30], [sflag:$0x2], $0x200, $0x38;
	[tilespmem:$0x9080] =	vst v63  }
0x67: {  	s7 =	sadd.s32 $0x100, s12  }
0x68: {  	[hbm4b:s7+s5] =	stream.linear.scatter [tilespmem:s31], [sflag:$0x2], $0x200, $0x38;
	[tilespmem:$0x9080] =	vst v63  }
0x69: {  	s7 =	sadd.s32 $0x140, s12  }
0x6a: {  	[hbm4b:s7+s5] =	stream.linear.scatter [tilespmem:s28], [sflag:$0x2], $0x200, $0x38;
	[tilespmem:$0x9080] =	vst v63  }
0x6b: {  	_ = 	snop  }
0x6c: {  	[hbm4b:s13+s5] =	stream.linear.scatter [tilespmem:s1], [sflag:$0x2], $0x200, $0x38;
	[tilespmem:$0x9080] =	vst v63  }
0x6d: {  	s7 =	sadd.s32 $0x40, s13  }
0x6e: {  	[hbm4b:s7+s5] =	stream.linear.scatter [tilespmem:s4], [sflag:$0x2], $0x200, $0x38;
	[tilespmem:$0x9080] =	vst v63  }
0x6f: {  	s7 =	sadd.s32 $0x80, s13  }
0x70: {  	[hbm4b:s7+s5] =	stream.linear.scatter [tilespmem:s25], [sflag:$0x2], $0x200, $0x38;
	[tilespmem:$0x9080] =	vst v63  }
0x71: {  	s7 =	sadd.s32 $0xC0, s13  }
0x72: {  	[hbm4b:s7+s5] =	stream.linear.scatter [tilespmem:s30], [sflag:$0x2], $0x200, $0x38;
	[tilespmem:$0x9080] =	vst v63  }
0x73: {  	s7 =	sadd.s32 $0x100, s13  }
0x74: {  	[hbm4b:s7+s5] =	stream.linear.scatter [tilespmem:s31], [sflag:$0x2], $0x200, $0x38;
	[tilespmem:$0x9080] =	vst v63  }
0x75: {  	s7 =	sadd.s32 $0x140, s13  }
0x76: {  	[hbm4b:s7+s5] =	stream.linear.scatter [tilespmem:s28], [sflag:$0x2], $0x200, $0x38;
	[tilespmem:$0x9080] =	vst v63  }
0x77: {  	_ = 	snop  }
0x78: {  	[hbm4b:s14+s5] =	stream.linear.scatter [tilespmem:s1], [sflag:$0x2], $0x200, $0x38;
	[tilespmem:$0x9080] =	vst v63  }
0x79: {  	s1 =	sadd.s32 $0x40, s14  }
0x7a: {  	[hbm4b:s1+s5] =	stream.linear.scatter [tilespmem:s4], [sflag:$0x2], $0x200, $0x38;
	[tilespmem:$0x9080] =	vst v63  }
0x7b: {  	s1 =	sadd.s32 $0x80, s14  }
0x7c: {  	[hbm4b:s1+s5] =	stream.linear.scatter [tilespmem:s25], [sflag:$0x2], $0x200, $0x38;
	[tilespmem:$0x9080] =	vst v63  }
0x7d: {  	s4 =	sadd.s32 $0xC0, s14  }
0x7e: {  	[hbm4b:s4+s5] =	stream.linear.scatter [tilespmem:s30], [sflag:$0x2], $0x200, $0x38;
	[tilespmem:$0x9080] =	vst v63  }
0x7f: {  	s25 =	sadd.s32 $0x100, s14  }
0x80: {  	[hbm4b:s25+s5] =	stream.linear.scatter [tilespmem:s31], [sflag:$0x2], $0x200, $0x38;
	[tilespmem:$0x9080] =	vst v63  }
0x81: {  	s1 =	sadd.s32 $0x140, s14  }
0x82: {  	[hbm4b:s1+s5] =	stream.linear.scatter [tilespmem:s28], [sflag:$0x2], $0x200, $0x38;
	[tilespmem:$0x9080] =	vst v63  }
0x83: {  	_ = 	snop  }
0x84: {  	[hbm4b:s15+s5] =	stream.linear.scatter [tilespmem:s29], [sflag:$0x2], $0x200, $0x38;
	[tilespmem:$0x9080] =	vst v63  }
0x85: {  	s4 =	sadd.s32 $0x40, s15;
	s1 =	simm.s32 $0x7C80  }
0x86: {  	[hbm4b:s4+s5] =	stream.linear.scatter [tilespmem:s1], [sflag:$0x2], $0x200, $0x38;
	[tilespmem:$0x9080] =	vst v63  }
0x87: {  	s25 =	sadd.s32 $0x80, s15;
	s4 =	simm.s32 $0x8080  }
0x88: {  	[hbm4b:s25+s5] =	stream.linear.scatter [tilespmem:s4], [sflag:$0x2], $0x200, $0x38;
	[tilespmem:$0x9080] =	vst v63  }
0x89: {  	s28 =	sadd.s32 $0xC0, s15;
	s25 =	simm.s32 $0x8480  }
0x8a: {  	[hbm4b:s28+s5] =	stream.linear.scatter [tilespmem:s25], [sflag:$0x2], $0x200, $0x38;
	[tilespmem:$0x9080] =	vst v63  }
0x8b: {  	s31 =	sadd.s32 $0x100, s15;
	s28 =	simm.s32 $0x8880  }
0x8c: {  	[hbm4b:s31+s5] =	stream.linear.scatter [tilespmem:s28], [sflag:$0x2], $0x200, $0x38;
	[tilespmem:$0x9080] =	vst v63  }
0x8d: {  	s30 =	simm.s32 $0x8C80;
	s31 =	sadd.s32 $0x140, s15  }
0x8e: {  	[hbm4b:s31+s5] =	stream.linear.scatter [tilespmem:s30], [sflag:$0x2], $0x200, $0x38;
	[tilespmem:$0x9080] =	vst v63  }
0x8f: {  	_ = 	snop  }
0x90: {  	[hbm4b:s16+s5] =	stream.linear.scatter [tilespmem:s29], [sflag:$0x2], $0x200, $0x38;
	[tilespmem:$0x9080] =	vst v63  }
0x91: {  	s31 =	sadd.s32 $0x40, s16  }
0x92: {  	[hbm4b:s31+s5] =	stream.linear.scatter [tilespmem:s1], [sflag:$0x2], $0x200, $0x38;
	[tilespmem:$0x9080] =	vst v63  }
0x93: {  	s31 =	sadd.s32 $0x80, s16  }
0x94: {  	[hbm4b:s31+s5] =	stream.linear.scatter [tilespmem:s4], [sflag:$0x2], $0x200, $0x38;
	[tilespmem:$0x9080] =	vst v63  }
0x95: {  	s31 =	sadd.s32 $0xC0, s16  }
0x96: {  	[hbm4b:s31+s5] =	stream.linear.scatter [tilespmem:s25], [sflag:$0x2], $0x200, $0x38;
	[tilespmem:$0x9080] =	vst v63  }
0x97: {  	s31 =	sadd.s32 $0x100, s16  }
0x98: {  	[hbm4b:s31+s5] =	stream.linear.scatter [tilespmem:s28], [sflag:$0x2], $0x200, $0x38;
	[tilespmem:$0x9080] =	vst v63  }
0x99: {  	s31 =	sadd.s32 $0x140, s16  }
0x9a: {  	[hbm4b:s31+s5] =	stream.linear.scatter [tilespmem:s30], [sflag:$0x2], $0x200, $0x38;
	[tilespmem:$0x9080] =	vst v63  }
0x9b: {  	_ = 	snop  }
0x9c: {  	[hbm4b:s17+s5] =	stream.linear.scatter [tilespmem:s29], [sflag:$0x2], $0x200, $0x38;
	[tilespmem:$0x9080] =	vst v63  }
0x9d: {  	s31 =	sadd.s32 $0x40, s17  }
0x9e: {  	[hbm4b:s31+s5] =	stream.linear.scatter [tilespmem:s1], [sflag:$0x2], $0x200, $0x38;
	[tilespmem:$0x9080] =	vst v63  }
0x9f: {  	s31 =	sadd.s32 $0x80, s17  }
0xa0: {  	[hbm4b:s31+s5] =	stream.linear.scatter [tilespmem:s4], [sflag:$0x2], $0x200, $0x38;
	[tilespmem:$0x9080] =	vst v63  }
0xa1: {  	s31 =	sadd.s32 $0xC0, s17  }
0xa2: {  	[hbm4b:s31+s5] =	stream.linear.scatter [tilespmem:s25], [sflag:$0x2], $0x200, $0x38;
	[tilespmem:$0x9080] =	vst v63  }
0xa3: {  	s31 =	sadd.s32 $0x100, s17  }
0xa4: {  	[hbm4b:s31+s5] =	stream.linear.scatter [tilespmem:s28], [sflag:$0x2], $0x200, $0x38;
	[tilespmem:$0x9080] =	vst v63  }
0xa5: {  	s31 =	sadd.s32 $0x140, s17  }
0xa6: {  	[hbm4b:s31+s5] =	stream.linear.scatter [tilespmem:s30], [sflag:$0x2], $0x200, $0x38;
	[tilespmem:$0x9080] =	vst v63  }
0xa7: {  	_ = 	snop  }
0xa8: {  	[hbm4b:s18+s5] =	stream.linear.scatter [tilespmem:s29], [sflag:$0x2], $0x200, $0x38;
	[tilespmem:$0x9080] =	vst v63  }
0xa9: {  	s31 =	sadd.s32 $0x40, s18  }
0xaa: {  	[hbm4b:s31+s5] =	stream.linear.scatter [tilespmem:s1], [sflag:$0x2], $0x200, $0x38;
	[tilespmem:$0x9080] =	vst v63  }
0xab: {  	s1 =	sadd.s32 $0x80, s18  }
0xac: {  	[hbm4b:s1+s5] =	stream.linear.scatter [tilespmem:s4], [sflag:$0x2], $0x200, $0x38;
	[tilespmem:$0x9080] =	vst v63  }
0xad: {  	s31 =	sadd.s32 $0xC0, s18  }
0xae: {  	[hbm4b:s31+s5] =	stream.linear.scatter [tilespmem:s25], [sflag:$0x2], $0x200, $0x38;
	[tilespmem:$0x9080] =	vst v63  }
0xaf: {  	s1 =	sadd.s32 $0x100, s18  }
0xb0: {  	[hbm4b:s1+s5] =	stream.linear.scatter [tilespmem:s28], [sflag:$0x2], $0x200, $0x38;
	[tilespmem:$0x9080] =	vst v63  }
0xb1: {  	s4 =	sadd.s32 $0x140, s18  }
0xb2: {  	[hbm4b:s4+s5] =	stream.linear.scatter [tilespmem:s30], [sflag:$0x2], $0x200, $0x38;
	[tilespmem:$0x9080] =	vst v63  }
0xb3: {  	s1 =	simm.s32 $0x7A80  }
0xb4: {  	[hbm4b:s19+s5] =	stream.linear.scatter [tilespmem:s1], [sflag:$0x2], $0x200, $0x38;
	[tilespmem:$0x9080] =	vst v63  }
0xb5: {  	s25 =	sadd.s32 $0x40, s19;
	s4 =	simm.s32 $0x7E80  }
0xb6: {  	[hbm4b:s25+s5] =	stream.linear.scatter [tilespmem:s4], [sflag:$0x2], $0x200, $0x38;
	[tilespmem:$0x9080] =	vst v63  }
0xb7: {  	s28 =	sadd.s32 $0x80, s19;
	s25 =	simm.s32 $0x8280  }
0xb8: {  	[hbm4b:s28+s5] =	stream.linear.scatter [tilespmem:s25], [sflag:$0x2], $0x200, $0x38;
	[tilespmem:$0x9080] =	vst v63  }
0xb9: {  	s31 =	sadd.s32 $0xC0, s19;
	s28 =	simm.s32 $0x8680  }
0xba: {  	[hbm4b:s31+s5] =	stream.linear.scatter [tilespmem:s28], [sflag:$0x2], $0x200, $0x38;
	[tilespmem:$0x9080] =	vst v63  }
0xbb: {  	s30 =	simm.s32 $0x8A80;
	s31 =	sadd.s32 $0x100, s19  }
0xbc: {  	[hbm4b:s31+s5] =	stream.linear.scatter [tilespmem:s30], [sflag:$0x2], $0x200, $0x38;
	[tilespmem:$0x9080] =	vst v63  }
0xbd: {  	s7 =	sadd.s32 $0x140, s19;
	s31 =	simm.s32 $0x8E80  }
0xbe: {  	[hbm4b:s7+s5] =	stream.linear.scatter [tilespmem:s31], [sflag:$0x2], $0x200, $0x38;
	[tilespmem:$0x9080] =	vst v63  }
0xbf: {  	_ = 	snop  }
0xc0: {  	[hbm4b:s20+s5] =	stream.linear.scatter [tilespmem:s1], [sflag:$0x2], $0x200, $0x38;
	[tilespmem:$0x9080] =	vst v63  }
0xc1: {  	s7 =	sadd.s32 $0x40, s20  }
0xc2: {  	[hbm4b:s7+s5] =	stream.linear.scatter [tilespmem:s4], [sflag:$0x2], $0x200, $0x38;
	[tilespmem:$0x9080] =	vst v63  }
0xc3: {  	s7 =	sadd.s32 $0x80, s20  }
0xc4: {  	[hbm4b:s7+s5] =	stream.linear.scatter [tilespmem:s25], [sflag:$0x2], $0x200, $0x38;
	[tilespmem:$0x9080] =	vst v63  }
0xc5: {  	s7 =	sadd.s32 $0xC0, s20  }
0xc6: {  	[hbm4b:s7+s5] =	stream.linear.scatter [tilespmem:s28], [sflag:$0x2], $0x200, $0x38;
	[tilespmem:$0x9080] =	vst v63  }
0xc7: {  	s7 =	sadd.s32 $0x100, s20  }
0xc8: {  	[hbm4b:s7+s5] =	stream.linear.scatter [tilespmem:s30], [sflag:$0x2], $0x200, $0x38;
	[tilespmem:$0x9080] =	vst v63  }
0xc9: {  	s7 =	sadd.s32 $0x140, s20  }
0xca: {  	[hbm4b:s7+s5] =	stream.linear.scatter [tilespmem:s31], [sflag:$0x2], $0x200, $0x38;
	[tilespmem:$0x9080] =	vst v63  }
0xcb: {  	_ = 	snop  }
0xcc: {  	[hbm4b:s21+s5] =	stream.linear.scatter [tilespmem:s1], [sflag:$0x2], $0x200, $0x38;
	[tilespmem:$0x9080] =	vst v63  }
0xcd: {  	s7 =	sadd.s32 $0x40, s21  }
0xce: {  	[hbm4b:s7+s5] =	stream.linear.scatter [tilespmem:s4], [sflag:$0x2], $0x200, $0x38;
	[tilespmem:$0x9080] =	vst v63  }
0xcf: {  	s7 =	sadd.s32 $0x80, s21  }
0xd0: {  	[hbm4b:s7+s5] =	stream.linear.scatter [tilespmem:s25], [sflag:$0x2], $0x200, $0x38;
	[tilespmem:$0x9080] =	vst v63  }
0xd1: {  	s7 =	sadd.s32 $0xC0, s21  }
0xd2: {  	[hbm4b:s7+s5] =	stream.linear.scatter [tilespmem:s28], [sflag:$0x2], $0x200, $0x38;
	[tilespmem:$0x9080] =	vst v63  }
0xd3: {  	s7 =	sadd.s32 $0x100, s21  }
0xd4: {  	[hbm4b:s7+s5] =	stream.linear.scatter [tilespmem:s30], [sflag:$0x2], $0x200, $0x38;
	[tilespmem:$0x9080] =	vst v63  }
0xd5: {  	s7 =	sadd.s32 $0x140, s21  }
0xd6: {  	[hbm4b:s7+s5] =	stream.linear.scatter [tilespmem:s31], [sflag:$0x2], $0x200, $0x38;
	[tilespmem:$0x9080] =	vst v63  }
0xd7: {  	_ = 	snop  }
0xd8: {  	[hbm4b:s22+s5] =	stream.linear.scatter [tilespmem:s1], [sflag:$0x2], $0x200, $0x38;
	[tilespmem:$0x9080] =	vst v63  }
0xd9: {  	s1 =	sadd.s32 $0x40, s22  }
0xda: {  	[hbm4b:s1+s5] =	stream.linear.scatter [tilespmem:s4], [sflag:$0x2], $0x200, $0x38;
	[tilespmem:$0x9080] =	vst v63  }
0xdb: {  	s1 =	sadd.s32 $0x80, s22  }
0xdc: {  	[hbm4b:s1+s5] =	stream.linear.scatter [tilespmem:s25], [sflag:$0x2], $0x200, $0x38;
	[tilespmem:$0x9080] =	vst v63  }
0xdd: {  	s4 =	sadd.s32 $0xC0, s22  }
0xde: {  	[hbm4b:s4+s5] =	stream.linear.scatter [tilespmem:s28], [sflag:$0x2], $0x200, $0x38;
	[tilespmem:$0x9080] =	vst v63  }
0xdf: {  	s25 =	sadd.s32 $0x100, s22  }
0xe0: {  	[hbm4b:s25+s5] =	stream.linear.scatter [tilespmem:s30], [sflag:$0x2], $0x200, $0x38;
	[tilespmem:$0x9080] =	vst v63  }
0xe1: {  	s28 =	sadd.s32 $0x140, s22  }
0xe2: {  	[hbm4b:s28+s5] =	stream.linear.scatter [tilespmem:s31], [sflag:$0x2], $0x200, $0x38;
	[tilespmem:$0x9080] =	vst v63  }
0xe3: {  	s31 =	simm.s32 $0x1  }
0xe4: {  	_ =	swait.ge [sflag:s31], $0x6000  }
0xe5: {  	s7 =	simm.s32 $0x40;
	[sflag:s31] =	ssyncset.done $0x0  }
0xe6: {  	s30 =	sadd.s32 $0x0, s23;
	s25 =	simm.s32 $0x480;
	[sflag:s31] =	ssyncadd.s32 $0xFFFFA000  }
.LBB2_2:
0xe7: {  	[hbm4b:s30+s5] =	stream.linear.scatter [tilespmem:s3], [sflag:$0x2], $0x200, $0x38;
	[tilespmem:$0x9080] =	vst v63  }
0xe8: {  	s30 =	smov.u32 s7;
	s3 =	smov.u32 s25;
	p0 =	sne.s32 s7, $0x5C0  }
.Ltmp0:
0xe9: {  	s7 =	sadd.s32 $0x40, s7;
	(pc) =	sbr.rel @p0 .LBB2_2-.Ltmp0, $2  }
0xea: {  	_ =	sdelay $0x2  }
0xeb: {  	s25 =	sadd.s32 $0x400, s25;
	s30 =	sadd.s32 s30, s23  }
0xec: {  	[hbm4b:s30+s5] =	stream.linear.scatter [tilespmem:s3], [sflag:$0x2], $0x200, $0x38;
	[tilespmem:$0x9080] =	vst v63  }
0xed: {  	s3 =	simm.s32 $0x280  }
0xee: {  	s7 =	simm.s32 $0x40;
	s30 =	sadd.s32 $0x0, s24;
	s25 =	simm.s32 $0x680  }
.LBB2_4:
0xef: {  	[hbm4b:s30+s5] =	stream.linear.scatter [tilespmem:s3], [sflag:$0x2], $0x200, $0x38;
	[tilespmem:$0x9080] =	vst v63  }
0xf0: {  	s30 =	smov.u32 s7;
	s3 =	smov.u32 s25;
	p0 =	sne.s32 s7, $0x5C0  }
.Ltmp1:
0xf1: {  	s7 =	sadd.s32 $0x40, s7;
	(pc) =	sbr.rel @p0 .LBB2_4-.Ltmp1, $2  }
0xf2: {  	_ =	sdelay $0x2  }
0xf3: {  	s25 =	sadd.s32 $0x400, s25;
	s30 =	sadd.s32 s30, s24  }
0xf4: {  	[hbm4b:s30+s5] =	stream.linear.scatter [tilespmem:s3], [sflag:$0x2], $0x200, $0x38;
	[tilespmem:$0x9080] =	vst v63  }
0xf5: {  	_ =	swait.ge [sflag:s0], $0xC00  }
0xf6: {  	[sflag:s0] =	ssyncset.done $0x0  }
0xf7: {  	[sflag:s0] =	ssyncadd.s32 $0xFFFFF400  }
0xf8: {  	_ =	swait.ge [sflag:s0], $0xC00  }
0xf9: {  	[sflag:s0] =	ssyncset.done $0x0  }
0xfa: {  	[sflag:s0] =	ssyncadd.s32 $0xFFFFF400  }
0xfb: {  	_ =	swait.ge [sflag:s0], $0xC00  }
0xfc: {  	[sflag:s0] =	ssyncset.done $0x0  }
0xfd: {  	[sflag:s0] =	ssyncadd.s32 $0xFFFFF400  }
0xfe: {  	_ =	swait.ge [sflag:s0], $0xC00  }
0xff: {  	[sflag:s0] =	ssyncset.done $0x0  }
0x100: {  	[sflag:s0] =	ssyncadd.s32 $0xFFFFF400  }
0x101: {  	_ =	swait.ge [sflag:s0], $0xC00  }
0x102: {  	[sflag:s0] =	ssyncset.done $0x0  }
0x103: {  	[sflag:s0] =	ssyncadd.s32 $0xFFFFF400  }
0x104: {  	_ =	swait.ge [sflag:s0], $0xC00  }
0x105: {  	[sflag:s0] =	ssyncset.done $0x0  }
0x106: {  	[sflag:s0] =	ssyncadd.s32 $0xFFFFF400  }
0x107: {  	_ =	swait.ge [sflag:s0], $0xC00  }
0x108: {  	[sflag:s0] =	ssyncset.done $0x0  }
0x109: {  	[sflag:s0] =	ssyncadd.s32 $0xFFFFF400  }
0x10a: {  	_ =	swait.ge [sflag:s0], $0xC00  }
0x10b: {  	[sflag:s0] =	ssyncset.done $0x0  }
0x10c: {  	[sflag:s0] =	ssyncadd.s32 $0xFFFFF400  }
0x10d: {  	_ =	swait.ge [sflag:s0], $0xC00  }
0x10e: {  	[sflag:s0] =	ssyncset.done $0x0  }
0x10f: {  	[sflag:s0] =	ssyncadd.s32 $0xFFFFF400  }
0x110: {  	_ =	swait.ge [sflag:s0], $0xC00  }
0x111: {  	[sflag:s0] =	ssyncset.done $0x0  }
0x112: {  	[sflag:s0] =	ssyncadd.s32 $0xFFFFF400  }
0x113: {  	_ =	swait.ge [sflag:s0], $0xC00  }
0x114: {  	[sflag:s0] =	ssyncset.done $0x0  }
0x115: {  	[sflag:s0] =	ssyncadd.s32 $0xFFFFF400  }
0x116: {  	_ =	swait.ge [sflag:s0], $0xC00  }
0x117: {  	[sflag:s0] =	ssyncset.done $0x0  }
0x118: {  	[sflag:s0] =	ssyncadd.s32 $0xFFFFF400  }
0x119: {  	_ =	swait.ge [sflag:s0], $0xC00  }
0x11a: {  	[sflag:s0] =	ssyncset.done $0x0  }
0x11b: {  	[sflag:s0] =	ssyncadd.s32 $0xFFFFF400  }
0x11c: {  	_ =	swait.ge [sflag:s0], $0xC00  }
0x11d: {  	[sflag:s0] =	ssyncset.done $0x0  }
0x11e: {  	[sflag:s0] =	ssyncadd.s32 $0xFFFFF400  }
0x11f: {  	_ =	swait.ge [sflag:s0], $0xC00  }
0x120: {  	[sflag:s0] =	ssyncset.done $0x0  }
0x121: {  	[sflag:s0] =	ssyncadd.s32 $0xFFFFF400  }
0x122: {  	_ =	swait.ge [sflag:s0], $0xC00  }
0x123: {  	[sflag:s0] =	ssyncset.done $0x0  }
0x124: {  	[sflag:s0] =	ssyncadd.s32 $0xFFFFF400  }
0x125: {  	_ =	swait.ge [sflag:s0], $0x3000  }
0x126: {  	[sflag:s0] =	ssyncset.done $0x0  }
0x127: {  	[sflag:s0] =	ssyncadd.s32 $0xFFFFD000  }
0x128: {  	_ =	swait.ge [sflag:s0], $0x3000  }
0x129: {  	s2 =	sadd.s32 $0x1, s2;
	s31 =	rddreg [dreg:$0x7]  }
0x12a: {  	p0 =	sne.s32 s2, s31  }
.Ltmp2:
0x12b: {  	_ = 	snop;
	(pc) =	sbr.rel @p0 .LBB2_1-.Ltmp2, $3  }
0x12c: {  	_ =	sdelay $0x1  }
0x12d: {  	[sflag:s0] =	ssyncset.done $0x0  }
0x12e: {  	[sflag:s0] =	ssyncadd.s32 $0xFFFFD000  }
0x12f: {  	_ =	sfence.sel $0x180000  }
0x130: {  	[bflag:$0x0] =	sbarrier.arrive $0xFFFF  }
0x131: {  	_ =	strace $0x90000047  }
0x132: {  	s0 =	stileid.u32;
	[bflag:$0x2] =	sbarrier.arrive $0xFFFF  }
0x133: {  	p0 =	sne.s32 s0, $0x0;
	s0 =	rddreg [dreg:$0x5]  }
0x134: {  	s0 =	sadd.s32 @!p0 $0x100000, s0  }
0x135: {  	[sflag:s0] =	ssyncadd.tile.s32 @!p0 $0x1;
	_ =	shalt  }
.Lfunc_end2:
_tile_overlayer_lowered:
.L_overlay_start_2:
0x136: {  	(tag) =	ssettag $0x2  }
0x137: {  	s0 =	rddreg [dreg:$0x0];
	s2 =	stileid.u32  }
0x138: {  	s1 =	rddreg [dreg:$0x1];
	p0 =	sne.s32 s2, $0x0  }
0x139: {  	s3 =	rddreg [dreg:$0x2];
	[bflag:$0x3] =	sbarrier.arrive $0xFFFF;
	s2 =	simm.s32 @!p0 $0x1C03  }
0x13a: {  	[timem:s3], [sflag:s2] =	dma.local @!p0 [hbm:s0], s1  }
0x13b: {  	s0 =	simm.s32 @!p0 $0x3  }
0x13c: {  	_ =	swait.ge @!p0 [sflag:s0], s1  }
0x13d: {  	s1 =	ssub.s32 @!p0 $0x0, s1;
	[sflag:s0] =	ssyncset.done @!p0 $0x0  }
0x13e: {  	[sflag:s0] =	ssyncadd.s32 @!p0 s1  }
0x13f: {  	[bflag:$0x3] =	sbarrier.arrive $0xFFFF  }
0x140: {  	_ =	shalt  }

// kernel: sc_pool3.3.cloned.1.call-start
scs
__scs_entry_jumppad:
0x0: {  	(pc) =	sbr.rel $0x88, $3  }
0x1: {  	(tag) =	ssettag $0x0;
	lr =	simm.s32 $0x1  }
0x2: {  	[smem:$0x3F98] =	sst lr;
	_ =	strace $0xD0000000  }
0x3: {  	_ = 	snop  }
0x4: {  	_ = 	snop  }
0x5: {  	_ = 	snop  }
0x6: {  	_ = 	snop  }
0x7: {  	_ = 	snop  }
__scs_overlays_trampoline_lowered:
0x8: {  	[smem:$0x3FA7] =	sst s0  }
0x9: {  	[smem:$0x3FA8] =	sst s1  }
0xa: {  	[smem:$0x3FA9] =	sst s2  }
0xb: {  	[smem:$0x3FAA] =	sst s3  }
0xc: {  	[smem:$0x3FAB] =	sst s4  }
0xd: {  	[smem:$0x3FAC] =	sst s5  }
0xe: {  	[smem:$0x3FAD] =	sst s6  }
0xf: {  	[smem:$0x3FAE] =	sst s7  }
0x10: {  	[smem:$0x3FAF] =	sst s8  }
0x11: {  	[smem:$0x3FB0] =	sst s9;
	s0 =	simm.s32 @!p0 $0x0  }
0x12: {  	s1 =	sld [smem:$0x3F96];
	s0 =	simm.s32 @p0 $0x1  }
0x13: {  	[smem:$0x3FB1] =	sst s0;
	s0 =	simm.s32 @!p1 $0x0  }
0x14: {  	s2 =	sld [smem:$0x3F95];
	s0 =	simm.s32 @p1 $0x1  }
0x15: {  	[smem:$0x3FB2] =	sst s0;
	s0 =	simm.s32 @!p2 $0x0  }
0x16: {  	s3 =	sld [smem:$0x3FDB];
	s0 =	simm.s32 @p2 $0x1  }
0x17: {  	s4 =	simm.s32 $0x1BF5;
	[smem:$0x3FB4] =	sst s0  }
0x18: {  	s0 =	sld [smem:$0x3F97];
	_ =	swait.ge [sflag:s4], $0x0  }
0x19: {  	s7 =	sld [smem:$0x3F98]  }
0x1a: {  	s8 =	sadd.s32 $0xFFFFE003, lr  }
0x1b: {  	s9 =	sadd.s32 $0xFFFFFEF7, lr;
	s5 =	simm.s32 $0xFFFFFFFF;
	p2 =	slt.u32 s8, $0xFFFFF086  }
0x1c: {  	p1 =	slt.u32 s9, $0xF7A;
	s5 =	simm.s32 @!p2 $0x0  }
0x1d: {  	s5 =	simm.s32 @p1 $0x1;
	p0 =	seq.s32 s7, s2  }
0x1e: {  	s7 =	smul.u32 @!p0 $0xF7A, s2;
	p2 =	seq.s32 @!p0 s5, $0x0  }
0x1f: {  	s9 =	smul.u32 $0xF7A, s1;
	s8 =	simm.s32 @!p0 $0x1BF5;
	p2 =	por !p2, p0  }
0x20: {  	[sflag:s8] =	ssyncset.s32 @!p0 $0xFFFFF086;
	s6 =	sadd.s32 @!p0 s3, s7;
	s7 =	simm.s32 @!p0 $0x108  }
0x21: {  	s3 =	sadd.s32 s3, s9;
	s6 =	sadd.s32 @!p0 $0x88, s6;
	s7 =	simm.s32 @p2 $0x1082  }
0x22: {  	[simem:s7], [sflag:s8] =	dma.local @!p0 [hbm:s6], $0xF7A  }
0x23: {  	s9 =	sor.u32 $0xD0000000, s2;
	s6 =	simm.s32 $0x108;
	_ =	swait.ge @!p0 [sflag:s8], $0x0  }
0x24: {  	s3 =	sadd.s32 $0x88, s3;
	s6 =	simm.s32 @!p1 $0x1082;
	[sflag:s4] =	ssyncset.s32 $0xFFFFF086  }
0x25: {  	[simem:s6], [sflag:s4] =	dma.local [hbm:s3], $0xF7A  }
0x26: {  	[smem:$0x3F98] =	sst s1;
	(tag) =	ssettag s2;
	_ =	strace s9  }
0x27: {  	s1 =	sld [smem:$0x3FA8]  }
0x28: {  	s2 =	sld [smem:$0x3FA9]  }
0x29: {  	s4 =	sld [smem:$0x3FAB]  }
0x2a: {  	p0 =	seq.s32 s5, $0x0;
	s5 =	sld [smem:$0x3FAC]  }
0x2b: {  	s6 =	sld [smem:$0x3FAD]  }
0x2c: {  	s7 =	sld [smem:$0x3FAE]  }
0x2d: {  	s3 =	simm.s32 $0x108;
	s8 =	sld [smem:$0x3FAF]  }
0x2e: {  	s3 =	simm.s32 @!p0 $0x1082;
	s9 =	sld [smem:$0x3FB0]  }
0x2f: {  	lr =	sadd.s32 s0, s3;
	s0 =	sld [smem:$0x3FA7]  }
0x30: {  	s3 =	sld [smem:$0x3FAA]  }
0x31: {  	[smem:$0x3FB3] =	sst s10  }
0x32: {  	s10 =	sld [smem:$0x3FB1];
	_ =	sdelay $0x3  }
0x33: {  	p0 =	seq.s32 s10, $0x1;
	s10 =	sld [smem:$0x3FB3];
	_ =	sdelay $0x3  }
0x34: {  	[smem:$0x3FB3] =	sst s10  }
0x35: {  	s10 =	sld [smem:$0x3FB2];
	_ =	sdelay $0x3  }
0x36: {  	p1 =	seq.s32 s10, $0x1;
	s10 =	sld [smem:$0x3FB3];
	_ =	sdelay $0x3  }
0x37: {  	[smem:$0x3FB3] =	sst s10  }
0x38: {  	s10 =	sld [smem:$0x3FB4]  }
0x39: {  	_ = 	snop;
	(pc) =	sbr.ind lr, $3  }
0x3a: {  	_ = 	snop  }
0x3b: {  	_ = 	snop  }
0x3c: {  	p2 =	seq.s32 s10, $0x1;
	s10 =	sld [smem:$0x3FB3]  }
0x3d: {  	_ =	shalt  }
0x3e: {  	_ =	shalt  }
0x3f: {  	_ =	shalt  }
0x40: {  	_ =	shalt  }
0x41: {  	_ =	shalt  }
0x42: {  	_ =	shalt  }
0x43: {  	_ =	shalt  }
0x44: {  	_ =	shalt  }
0x45: {  	_ =	shalt  }
0x46: {  	_ =	shalt  }
0x47: {  	_ =	shalt  }
0x48: {  	_ =	shalt  }
0x49: {  	_ =	shalt  }
0x4a: {  	_ =	shalt  }
0x4b: {  	_ =	shalt  }
0x4c: {  	_ =	shalt  }
0x4d: {  	_ =	shalt  }
0x4e: {  	_ =	shalt  }
0x4f: {  	_ =	shalt  }
0x50: {  	_ =	shalt  }
0x51: {  	_ =	shalt  }
0x52: {  	_ =	shalt  }
0x53: {  	_ =	shalt  }
0x54: {  	_ =	shalt  }
0x55: {  	_ =	shalt  }
0x56: {  	_ =	shalt  }
0x57: {  	_ =	shalt  }
0x58: {  	_ =	shalt  }
0x59: {  	_ =	shalt  }
0x5a: {  	_ =	shalt  }
0x5b: {  	_ =	shalt  }
0x5c: {  	_ =	shalt  }
0x5d: {  	_ =	shalt  }
0x5e: {  	_ =	shalt  }
0x5f: {  	_ =	shalt  }
0x60: {  	_ =	shalt  }
0x61: {  	_ =	shalt  }
0x62: {  	_ =	shalt  }
0x63: {  	_ =	shalt  }
0x64: {  	_ =	shalt  }
0x65: {  	_ =	shalt  }
0x66: {  	_ =	shalt  }
0x67: {  	_ =	shalt  }
0x68: {  	_ =	shalt  }
0x69: {  	_ =	shalt  }
0x6a: {  	_ =	shalt  }
0x6b: {  	_ =	shalt  }
0x6c: {  	_ =	shalt  }
0x6d: {  	_ =	shalt  }
0x6e: {  	_ =	shalt  }
0x6f: {  	_ =	shalt  }
0x70: {  	_ =	shalt  }
0x71: {  	_ =	shalt  }
0x72: {  	_ =	shalt  }
0x73: {  	_ =	shalt  }
0x74: {  	_ =	shalt  }
0x75: {  	_ =	shalt  }
0x76: {  	_ =	shalt  }
0x77: {  	_ =	shalt  }
0x78: {  	_ =	shalt  }
0x79: {  	_ =	shalt  }
0x7a: {  	_ =	shalt  }
0x7b: {  	_ =	shalt  }
0x7c: {  	_ =	shalt  }
0x7d: {  	_ =	shalt  }
0x7e: {  	_ =	shalt  }
0x7f: {  	_ =	shalt  }
0x80: {  	_ =	shalt  }
0x81: {  	_ =	shalt  }
0x82: {  	_ =	shalt  }
0x83: {  	_ =	shalt  }
0x84: {  	_ =	shalt  }
0x85: {  	_ =	shalt  }
0x86: {  	_ =	shalt  }
0x87: {  	_ =	shalt  }
.Lfunc_end0:
.L_simem_size_0:
called_computation.1_lowered:
.L_overlay_start_0:
0x88: {  	s2 =	sld [smem:$0x3FD9]  }
0x89: {  	s3 =	sld [smem:$0x3FFE];
	_ =	sdelay $0x1  }
0x8a: {  	s1 =	srdreg.scid  }
0x8b: {  	s0 =	sand.u32 $0x1, s1  }
0x8c: {  	s14 =	sshll.u32 s0, $0xA;
	s2 =	sadd.s32 s3, s2  }
0x8d: {  	s2 =	sadd.s32 s2, s14  }
0x8e: {  	[smem:$0x3FBF] =	sst s2  }
0x8f: {  	_ = 	snop  }
0x90: {  	s2 =	sld [smem:$0x3FD0];
	_ =	sdelay $0x2  }
0x91: {  	s4 =	simm.s32 $0xA;
	s5 =	simm.s32 $0x10;
	s15 =	sld [smem:$0x3FC5]  }
0x92: {  	[smem:s5], [sflag:s4] =	dma.local [hbm:s2], $0x1  }
0x93: {  	_ =	swait.eq [sflag:s4], $0x1  }
0x94: {  	[sflag:s4] =	ssyncset.done $0x0  }
0x95: {  	[sflag:s4] =	ssyncadd.s32 $0xFFFFFFFF  }
0x96: {  	s16 =	sld [smem:$0x10];
	(tm) =	ssettm $0x1  }
0x97: {  	s17 =	sld [smem:$0x3FFB];
	_ =	sdelay $0x3  }
0x98: {  	_ =	strace s17  }
0x99: {  	s4 =	sld [smem:$0x3FFC];
	_ =	sdelay $0x3  }
0x9a: {  	_ =	strace s4  }
0x9b: {  	s4 =	sld [smem:$0x3FFD];
	_ =	sdelay $0x3  }
0x9c: {  	_ =	strace s4  }
0x9d: {  	_ =	strace $0x8FFFFFFF  }
0x9e: {  	s18 =	sld [smem:$0x3FDB];
	_ =	sdelay $0x1  }
0x9f: {  	s19 =	simm.s32 $_scs_section_size  }
0xa0: {  	s6 =	simm.s32 $_size__tile_overlayer_lowered;
	s7 =	simm.s32 $_tile_overlayer_lowered  }
0xa1: {  	s22 =	simm.s32 $0x1BFF;
	s21 =	sshll.u32 s7, $0x1;
	s4 =	sadd.s32 s19, s18  }
0xa2: {  	s8 =	simm.s32 $0x0;
	s20 =	sshll.u32 s6, $0x1;
	s6 =	sadd.s32 s21, s4  }
0xa3: {  	[timem:s8], [sflag:s22] =	dma.local [hbm:s6], s20  }
0xa4: {  	_ =	swait.ge [sflag:s22], s20  }
0xa5: {  	s5 =	ssub.s32 $0x0, s20;
	[sflag:s22] =	ssyncset.done $0x0  }
0xa6: {  	[sflag:s22] =	ssyncadd.s32 s5;
	_ =	sdelay $0x1  }
0xa7: {  	s23 =	simm.s32 $0x1B8B  }
0xa8: {  	_ =	swait.ge [sflag:s23], $0x1  }
0xa9: {  	[sflag:s23] =	ssyncset.done $0x0  }
0xaa: {  	s25 =	simm.s32 $0x1B8E;
	s24 =	sld [smem:$0x3FFE];
	[sflag:s23] =	ssyncadd.s32 $0xFFFFFFFF  }
0xab: {  	s26 =	simm.s32 $execute0_lowered;
	[smem:$0x3FD2] =	sst s25  }
0xac: {  	s6 =	sshll.u32 s26, $0x1;
	_ =	strace $0x80000049;
	[dreg:$0x1] =	wrdreg $0xFFFFFFFF  }
0xad: {  	s28 =	simm.s32 $_size_execute0_lowered;
	s4 =	sadd.s32 s4, s6;
	[dreg:$0x0] =	wrdreg $0x0  }
0xae: {  	s6 =	sshll.u32 s28, $0x1;
	[dreg:$0x2] =	wrdreg s4  }
0xaf: {  	[dreg:$0x3] =	wrdreg s6  }
0xb0: {  	[dreg:$0x4] =	wrdreg $0xC0  }
0xb1: {  	_ =	task [dreg:s8], $0x5FFFF  }
0xb2: {  	[dreg:$0x1] =	wrdreg $0xFFFFFFFF  }
0xb3: {  	[dreg:$0x0] =	wrdreg $0x60  }
0xb4: {  	[dreg:$0x2] =	wrdreg s15  }
0xb5: {  	[dreg:$0x3] =	wrdreg s24  }
0xb6: {  	[dreg:$0x4] =	wrdreg s16  }
0xb7: {  	[dreg:$0x5] =	wrdreg $0x9  }
0xb8: {  	_ =	task.clear_ibuf [dreg:s8], $0x6FFFF;
	_ =	strace $0x90000049  }
0xb9: {  	s29 =	simm.s32 $0x9;
	_ =	strace $0x8000004B  }
0xba: {  	_ =	swait.ge [sflag:s29], $0x1  }
0xbb: {  	[sflag:s29] =	ssyncadd.s32 $0xFFFFFFFF  }
0xbc: {  	_ =	strace $0x9000004B  }
0xbd: {  	_ =	sfence  }
0xbe: {  	s30 =	sld [smem:$0x0];
	_ =	sdelay $0x2  }
0xbf: {  	s31 =	sshll.u32 s1, $0xD;
	s1 =	sshrl.u32 s1, $0x2  }
0xc0: {  	s3 =	sand.u32 $0x4000, s31;
	s1 =	sadd.s32 s1, s30  }
0xc1: {  	s0 =	sor.u32 s3, s0;
	s1 =	sshll.u32 s1, $0x11  }
0xc2: {  	s0 =	sor.u32 s1, s0  }
0xc3: {  	s0 =	sadd.s32 $0x8F2B, s0  }
0xc4: {  	[sflag:s0] =	ssyncadd.remote.s32 $0x1  }
0xc5: {  	_ =	sfence.sel $0xFFFF  }
0xc6: {  	[dreg:$0x0] =	wrdreg $0xFFFFFFFF;
	(pc) =	sbr.abs _section_cstart, $3  }
0xc7: {  	[dreg:$0x1] =	wrdreg $0xFFFFFFFF  }
0xc8: {  	_ =	task.clear_ibuf [dreg:s8], $0x2FFFF;
	_ =	strace $0x9FFFFFFF  }
0xc9: {  	(tm) =	ssettm $0x7FFFFFFF  }
tec
execute0_lowered:
.L_overlay_start_1:
0x0: {  	(tag) =	ssettag $0x1  }
0x1: {  	s1 =	rddreg [dreg:$0x0]  }
0x2: {  	s4 =	rddreg [dreg:$0x1]  }
0x3: {  	s2 =	srdreg.scid;
	s0 =	stileid.u32  }
0x4: {  	s5 =	rddreg [dreg:$0x2];
	s3 =	simm.s32 $0x0;
	s9 =	simm.s32 $0x1  }
0x5: {  	s10 =	simm.s32 $0x2;
	s6 =	sand.u32 $0x1, s2;
	s7 =	sshll.u32 s0, $0x1  }
0x6: {  	s11 =	simm.s32 $0x0;
	s2 =	rddreg [dreg:$0x3];
	s7 =	sor.u32 s6, s7  }
0x7: {  	[smem:$0x7FF] =	sst s3;
	s6 =	ssub.s32 $0x2, s6;
	s8 =	smul.u32 $0x3000, s7  }
0x8: {  	_ =	strace $0x8000004A;
	s7 =	sshll.u32 s7, $0x4;
	s31 =	sshrl.u32 s6, $0x1  }
0x9: {  	s4 =	sadd.s32 s7, s4;
	s7 =	ssub.s32 s6, s31;
	s8 =	sshrl.u32 s8, $0x3  }
0xa: {  	s4 =	sadd.s32 $0x2400, s4;
	s7 =	smax.u32 s7, $0x1;
	s8 =	sadd.s32 s5, s8  }
0xb: {  	vm0 =	vmmov $0xf;
	v0 =	vlaneseq.u32;
	s5 =	sadd.s32 $0x48000, s8;
	s6 =	sadd.s32 $0x54000, s8;
	s8 =	simm.s32 $0x3  }
.LBB2_1:
0xc: {  	[tilespmem:s3], [sflag:$0x3] =	stream.linear.gather [hbm4b:s4+s3], $0x80, $0x38;
	[tilespmem:$0x6080] =	vst v63  }
0xd: {  	_ =	swait.ge [sflag:s8], $0x80  }
0xe: {  	[sflag:s8] =	ssyncset.done $0x0  }
0xf: {  	[sflag:s8] =	ssyncadd.s32 $0xFFFFFF80  }
0x10: {  	v1 =	vld.msk [tilespmem:$0x0], $0xf;
	_ =	sdelay $0x4  }
0x11: {  	v1 =	vmul.u32 $0x1800, v1;
	_ =	sdelay $0x1  }
0x12: {  	v1 =	vperm.xlane v1, v0;
	_ =	sdelay $0x4  }
0x13: {  	s12 =	simm.s32 $0x80  }
0x14: {  	[tilespmem:s12], [sflag:$0x1] =	stream.indirect_vreg.gather [hbm4b:s1+s3], $0x1800, v1, vm0, $0x38;
	[tilespmem:$0x6080] =	vst v63  }
0x15: {  	_ =	swait.ge [sflag:s9], $0x6000  }
0x16: {  	s13 =	simm.s32 $0x40;
	[sflag:s9] =	ssyncset.done $0x0  }
0x17: {  	s15 =	sadd.s32 $0x0, s5;
	s14 =	simm.s32 $0x480;
	[sflag:s9] =	ssyncadd.s32 $0xFFFFA000  }
.LBB2_2:
0x18: {  	[hbm4b:s15+s3] =	stream.linear.scatter [tilespmem:s12], [sflag:$0x2], $0x200, $0x38;
	[tilespmem:$0x6080] =	vst v63  }
0x19: {  	s15 =	smov.u32 s13;
	s12 =	smov.u32 s14;
	p0 =	sne.s32 s13, $0x5C0  }
.Ltmp0:
0x1a: {  	s13 =	sadd.s32 $0x40, s13;
	(pc) =	sbr.rel @p0 .LBB2_2-.Ltmp0, $2  }
0x1b: {  	_ =	sdelay $0x2  }
0x1c: {  	s14 =	sadd.s32 $0x400, s14;
	s15 =	sadd.s32 s15, s5  }
0x1d: {  	[hbm4b:s15+s3] =	stream.linear.scatter [tilespmem:s12], [sflag:$0x2], $0x200, $0x38;
	[tilespmem:$0x6080] =	vst v63  }
0x1e: {  	s12 =	simm.s32 $0x280  }
0x1f: {  	s13 =	simm.s32 $0x40;
	s15 =	sadd.s32 $0x0, s6;
	s14 =	simm.s32 $0x680  }
.LBB2_4:
0x20: {  	[hbm4b:s15+s3] =	stream.linear.scatter [tilespmem:s12], [sflag:$0x2], $0x200, $0x38;
	[tilespmem:$0x6080] =	vst v63  }
0x21: {  	s15 =	smov.u32 s13;
	s12 =	smov.u32 s14;
	p0 =	sne.s32 s13, $0x5C0  }
.Ltmp1:
0x22: {  	s13 =	sadd.s32 $0x40, s13;
	(pc) =	sbr.rel @p0 .LBB2_4-.Ltmp1, $2  }
0x23: {  	_ =	sdelay $0x2  }
0x24: {  	s14 =	sadd.s32 $0x400, s14;
	s15 =	sadd.s32 s15, s6  }
0x25: {  	[hbm4b:s15+s3] =	stream.linear.scatter [tilespmem:s12], [sflag:$0x2], $0x200, $0x38;
	[tilespmem:$0x6080] =	vst v63  }
0x26: {  	s11 =	sadd.s32 $0x1, s11  }
0x27: {  	_ =	swait.ge [sflag:s10], $0x3000;
	p0 =	sne.s32 s11, s7  }
.Ltmp2:
0x28: {  	[sflag:s10] =	ssyncset.done $0x0;
	(pc) =	sbr.rel @p0 .LBB2_1-.Ltmp2, $4  }
0x29: {  	[sflag:s10] =	ssyncadd.s32 $0xFFFFD000  }
0x2a: {  	_ =	swait.ge [sflag:s10], $0x3000  }
0x2b: {  	[sflag:s10] =	ssyncset.done $0x0  }
0x2c: {  	[sflag:s10] =	ssyncadd.s32 $0xFFFFD000  }
0x2d: {  	_ =	sfence.sel $0x180000  }
0x2e: {  	[bflag:$0x0] =	sbarrier.arrive $0xFFFF  }
0x2f: {  	p0 =	sne.s32 s0, $0x0;
	_ =	strace $0x9000004A  }
0x30: {  	s0 =	sadd.s32 @!p0 $0x100000, s2;
	[bflag:$0x2] =	sbarrier.arrive $0xFFFF  }
0x31: {  	[sflag:s0] =	ssyncadd.tile.s32 @!p0 $0x1;
	_ =	shalt  }
.Lfunc_end2:
_tile_overlayer_lowered:
.L_overlay_start_2:
0x32: {  	(tag) =	ssettag $0x2  }
0x33: {  	s0 =	rddreg [dreg:$0x0];
	s2 =	stileid.u32  }
0x34: {  	s1 =	rddreg [dreg:$0x1];
	p0 =	sne.s32 s2, $0x0  }
0x35: {  	s3 =	rddreg [dreg:$0x2];
	[bflag:$0x3] =	sbarrier.arrive $0xFFFF;
	s2 =	simm.s32 @!p0 $0x1C03  }
0x36: {  	[timem:s3], [sflag:s2] =	dma.local @!p0 [hbm:s0], s1  }
0x37: {  	s0 =	simm.s32 @!p0 $0x3  }
0x38: {  	_ =	swait.ge @!p0 [sflag:s0], s1  }
0x39: {  	s1 =	ssub.s32 @!p0 $0x0, s1;
	[sflag:s0] =	ssyncset.done @!p0 $0x0  }
0x3a: {  	[sflag:s0] =	ssyncadd.s32 @!p0 s1  }
0x3b: {  	[bflag:$0x3] =	sbarrier.arrive $0xFFFF  }
0x3c: {  	_ =	shalt  }

// kernel: sc_pool4.3.cloned.1.call-start
scs
__scs_entry_jumppad:
0x0: {  	(pc) =	sbr.rel $0x88, $3  }
0x1: {  	(tag) =	ssettag $0x0;
	lr =	simm.s32 $0x1  }
0x2: {  	[smem:$0x3F98] =	sst lr;
	_ =	strace $0xD0000000  }
0x3: {  	_ = 	snop  }
0x4: {  	_ = 	snop  }
0x5: {  	_ = 	snop  }
0x6: {  	_ = 	snop  }
0x7: {  	_ = 	snop  }
__scs_overlays_trampoline_lowered:
0x8: {  	[smem:$0x3FA7] =	sst s0  }
0x9: {  	[smem:$0x3FA8] =	sst s1  }
0xa: {  	[smem:$0x3FA9] =	sst s2  }
0xb: {  	[smem:$0x3FAA] =	sst s3  }
0xc: {  	[smem:$0x3FAB] =	sst s4  }
0xd: {  	[smem:$0x3FAC] =	sst s5  }
0xe: {  	[smem:$0x3FAD] =	sst s6  }
0xf: {  	[smem:$0x3FAE] =	sst s7  }
0x10: {  	[smem:$0x3FAF] =	sst s8  }
0x11: {  	[smem:$0x3FB0] =	sst s9;
	s0 =	simm.s32 @!p0 $0x0  }
0x12: {  	s1 =	sld [smem:$0x3F96];
	s0 =	simm.s32 @p0 $0x1  }
0x13: {  	[smem:$0x3FB1] =	sst s0;
	s0 =	simm.s32 @!p1 $0x0  }
0x14: {  	s2 =	sld [smem:$0x3F95];
	s0 =	simm.s32 @p1 $0x1  }
0x15: {  	[smem:$0x3FB2] =	sst s0;
	s0 =	simm.s32 @!p2 $0x0  }
0x16: {  	s3 =	sld [smem:$0x3FDB];
	s0 =	simm.s32 @p2 $0x1  }
0x17: {  	s4 =	simm.s32 $0x1BF5;
	[smem:$0x3FB4] =	sst s0  }
0x18: {  	s0 =	sld [smem:$0x3F97];
	_ =	swait.ge [sflag:s4], $0x0  }
0x19: {  	s7 =	sld [smem:$0x3F98]  }
0x1a: {  	s8 =	sadd.s32 $0xFFFFE003, lr  }
0x1b: {  	s9 =	sadd.s32 $0xFFFFFEF7, lr;
	s5 =	simm.s32 $0xFFFFFFFF;
	p2 =	slt.u32 s8, $0xFFFFF086  }
0x1c: {  	p1 =	slt.u32 s9, $0xF7A;
	s5 =	simm.s32 @!p2 $0x0  }
0x1d: {  	s5 =	simm.s32 @p1 $0x1;
	p0 =	seq.s32 s7, s2  }
0x1e: {  	s7 =	smul.u32 @!p0 $0xF7A, s2;
	p2 =	seq.s32 @!p0 s5, $0x0  }
0x1f: {  	s9 =	smul.u32 $0xF7A, s1;
	s8 =	simm.s32 @!p0 $0x1BF5;
	p2 =	por !p2, p0  }
0x20: {  	[sflag:s8] =	ssyncset.s32 @!p0 $0xFFFFF086;
	s6 =	sadd.s32 @!p0 s3, s7;
	s7 =	simm.s32 @!p0 $0x108  }
0x21: {  	s3 =	sadd.s32 s3, s9;
	s6 =	sadd.s32 @!p0 $0x88, s6;
	s7 =	simm.s32 @p2 $0x1082  }
0x22: {  	[simem:s7], [sflag:s8] =	dma.local @!p0 [hbm:s6], $0xF7A  }
0x23: {  	s9 =	sor.u32 $0xD0000000, s2;
	s6 =	simm.s32 $0x108;
	_ =	swait.ge @!p0 [sflag:s8], $0x0  }
0x24: {  	s3 =	sadd.s32 $0x88, s3;
	s6 =	simm.s32 @!p1 $0x1082;
	[sflag:s4] =	ssyncset.s32 $0xFFFFF086  }
0x25: {  	[simem:s6], [sflag:s4] =	dma.local [hbm:s3], $0xF7A  }
0x26: {  	[smem:$0x3F98] =	sst s1;
	(tag) =	ssettag s2;
	_ =	strace s9  }
0x27: {  	s1 =	sld [smem:$0x3FA8]  }
0x28: {  	s2 =	sld [smem:$0x3FA9]  }
0x29: {  	s4 =	sld [smem:$0x3FAB]  }
0x2a: {  	p0 =	seq.s32 s5, $0x0;
	s5 =	sld [smem:$0x3FAC]  }
0x2b: {  	s6 =	sld [smem:$0x3FAD]  }
0x2c: {  	s7 =	sld [smem:$0x3FAE]  }
0x2d: {  	s3 =	simm.s32 $0x108;
	s8 =	sld [smem:$0x3FAF]  }
0x2e: {  	s3 =	simm.s32 @!p0 $0x1082;
	s9 =	sld [smem:$0x3FB0]  }
0x2f: {  	lr =	sadd.s32 s0, s3;
	s0 =	sld [smem:$0x3FA7]  }
0x30: {  	s3 =	sld [smem:$0x3FAA]  }
0x31: {  	[smem:$0x3FB3] =	sst s10  }
0x32: {  	s10 =	sld [smem:$0x3FB1];
	_ =	sdelay $0x3  }
0x33: {  	p0 =	seq.s32 s10, $0x1;
	s10 =	sld [smem:$0x3FB3];
	_ =	sdelay $0x3  }
0x34: {  	[smem:$0x3FB3] =	sst s10  }
0x35: {  	s10 =	sld [smem:$0x3FB2];
	_ =	sdelay $0x3  }
0x36: {  	p1 =	seq.s32 s10, $0x1;
	s10 =	sld [smem:$0x3FB3];
	_ =	sdelay $0x3  }
0x37: {  	[smem:$0x3FB3] =	sst s10  }
0x38: {  	s10 =	sld [smem:$0x3FB4]  }
0x39: {  	_ = 	snop;
	(pc) =	sbr.ind lr, $3  }
0x3a: {  	_ = 	snop  }
0x3b: {  	_ = 	snop  }
0x3c: {  	p2 =	seq.s32 s10, $0x1;
	s10 =	sld [smem:$0x3FB3]  }
0x3d: {  	_ =	shalt  }
0x3e: {  	_ =	shalt  }
0x3f: {  	_ =	shalt  }
0x40: {  	_ =	shalt  }
0x41: {  	_ =	shalt  }
0x42: {  	_ =	shalt  }
0x43: {  	_ =	shalt  }
0x44: {  	_ =	shalt  }
0x45: {  	_ =	shalt  }
0x46: {  	_ =	shalt  }
0x47: {  	_ =	shalt  }
0x48: {  	_ =	shalt  }
0x49: {  	_ =	shalt  }
0x4a: {  	_ =	shalt  }
0x4b: {  	_ =	shalt  }
0x4c: {  	_ =	shalt  }
0x4d: {  	_ =	shalt  }
0x4e: {  	_ =	shalt  }
0x4f: {  	_ =	shalt  }
0x50: {  	_ =	shalt  }
0x51: {  	_ =	shalt  }
0x52: {  	_ =	shalt  }
0x53: {  	_ =	shalt  }
0x54: {  	_ =	shalt  }
0x55: {  	_ =	shalt  }
0x56: {  	_ =	shalt  }
0x57: {  	_ =	shalt  }
0x58: {  	_ =	shalt  }
0x59: {  	_ =	shalt  }
0x5a: {  	_ =	shalt  }
0x5b: {  	_ =	shalt  }
0x5c: {  	_ =	shalt  }
0x5d: {  	_ =	shalt  }
0x5e: {  	_ =	shalt  }
0x5f: {  	_ =	shalt  }
0x60: {  	_ =	shalt  }
0x61: {  	_ =	shalt  }
0x62: {  	_ =	shalt  }
0x63: {  	_ =	shalt  }
0x64: {  	_ =	shalt  }
0x65: {  	_ =	shalt  }
0x66: {  	_ =	shalt  }
0x67: {  	_ =	shalt  }
0x68: {  	_ =	shalt  }
0x69: {  	_ =	shalt  }
0x6a: {  	_ =	shalt  }
0x6b: {  	_ =	shalt  }
0x6c: {  	_ =	shalt  }
0x6d: {  	_ =	shalt  }
0x6e: {  	_ =	shalt  }
0x6f: {  	_ =	shalt  }
0x70: {  	_ =	shalt  }
0x71: {  	_ =	shalt  }
0x72: {  	_ =	shalt  }
0x73: {  	_ =	shalt  }
0x74: {  	_ =	shalt  }
0x75: {  	_ =	shalt  }
0x76: {  	_ =	shalt  }
0x77: {  	_ =	shalt  }
0x78: {  	_ =	shalt  }
0x79: {  	_ =	shalt  }
0x7a: {  	_ =	shalt  }
0x7b: {  	_ =	shalt  }
0x7c: {  	_ =	shalt  }
0x7d: {  	_ =	shalt  }
0x7e: {  	_ =	shalt  }
0x7f: {  	_ =	shalt  }
0x80: {  	_ =	shalt  }
0x81: {  	_ =	shalt  }
0x82: {  	_ =	shalt  }
0x83: {  	_ =	shalt  }
0x84: {  	_ =	shalt  }
0x85: {  	_ =	shalt  }
0x86: {  	_ =	shalt  }
0x87: {  	_ =	shalt  }
.Lfunc_end0:
.L_simem_size_0:
called_computation.2_lowered:
.L_overlay_start_0:
0x88: {  	s2 =	sld [smem:$0x3FD9]  }
0x89: {  	s3 =	sld [smem:$0x3FFE];
	_ =	sdelay $0x1  }
0x8a: {  	s1 =	srdreg.scid  }
0x8b: {  	s0 =	sand.u32 $0x1, s1  }
0x8c: {  	s14 =	sshll.u32 s0, $0xA;
	s2 =	sadd.s32 s3, s2  }
0x8d: {  	s2 =	sadd.s32 s2, s14  }
0x8e: {  	[smem:$0x3FBF] =	sst s2  }
0x8f: {  	_ = 	snop  }
0x90: {  	s2 =	sld [smem:$0x3FD0];
	_ =	sdelay $0x2  }
0x91: {  	s4 =	simm.s32 $0xA;
	s5 =	simm.s32 $0x10;
	s15 =	sld [smem:$0x3FC4]  }
0x92: {  	[smem:s5], [sflag:s4] =	dma.local [hbm:s2], $0x1  }
0x93: {  	_ =	swait.eq [sflag:s4], $0x1  }
0x94: {  	[sflag:s4] =	ssyncset.done $0x0  }
0x95: {  	[sflag:s4] =	ssyncadd.s32 $0xFFFFFFFF  }
0x96: {  	s16 =	sld [smem:$0x10];
	(tm) =	ssettm $0x1  }
0x97: {  	s17 =	sld [smem:$0x3FFB];
	_ =	sdelay $0x3  }
0x98: {  	_ =	strace s17  }
0x99: {  	s4 =	sld [smem:$0x3FFC];
	_ =	sdelay $0x3  }
0x9a: {  	_ =	strace s4  }
0x9b: {  	s4 =	sld [smem:$0x3FFD];
	_ =	sdelay $0x3  }
0x9c: {  	_ =	strace s4  }
0x9d: {  	_ =	strace $0x8FFFFFFF  }
0x9e: {  	s18 =	sld [smem:$0x3FDB];
	_ =	sdelay $0x1  }
0x9f: {  	s19 =	simm.s32 $_scs_section_size  }
0xa0: {  	s6 =	simm.s32 $_size__tile_overlayer_lowered;
	s7 =	simm.s32 $_tile_overlayer_lowered  }
0xa1: {  	s22 =	simm.s32 $0x1BFF;
	s21 =	sshll.u32 s7, $0x1;
	s4 =	sadd.s32 s19, s18  }
0xa2: {  	s8 =	simm.s32 $0x0;
	s20 =	sshll.u32 s6, $0x1;
	s6 =	sadd.s32 s21, s4  }
0xa3: {  	[timem:s8], [sflag:s22] =	dma.local [hbm:s6], s20  }
0xa4: {  	_ =	swait.ge [sflag:s22], s20  }
0xa5: {  	s5 =	ssub.s32 $0x0, s20;
	[sflag:s22] =	ssyncset.done $0x0  }
0xa6: {  	[sflag:s22] =	ssyncadd.s32 s5;
	_ =	sdelay $0x1  }
0xa7: {  	s23 =	simm.s32 $0x1B8B  }
0xa8: {  	_ =	swait.ge [sflag:s23], $0x1  }
0xa9: {  	[sflag:s23] =	ssyncset.done $0x0  }
0xaa: {  	s25 =	simm.s32 $0x1B8E;
	s24 =	sld [smem:$0x3FFE];
	[sflag:s23] =	ssyncadd.s32 $0xFFFFFFFF  }
0xab: {  	s26 =	simm.s32 $execute0_lowered;
	[smem:$0x3FD2] =	sst s25  }
0xac: {  	s6 =	sshll.u32 s26, $0x1;
	_ =	strace $0x8000004C;
	[dreg:$0x1] =	wrdreg $0xFFFFFFFF  }
0xad: {  	s28 =	simm.s32 $_size_execute0_lowered;
	s4 =	sadd.s32 s4, s6;
	[dreg:$0x0] =	wrdreg $0x0  }
0xae: {  	s6 =	sshll.u32 s28, $0x1;
	[dreg:$0x2] =	wrdreg s4  }
0xaf: {  	[dreg:$0x3] =	wrdreg s6  }
0xb0: {  	[dreg:$0x4] =	wrdreg $0xC0  }
0xb1: {  	_ =	task [dreg:s8], $0x5FFFF  }
0xb2: {  	[dreg:$0x1] =	wrdreg $0xFFFFFFFF  }
0xb3: {  	[dreg:$0x0] =	wrdreg $0x60  }
0xb4: {  	[dreg:$0x2] =	wrdreg s15  }
0xb5: {  	[dreg:$0x3] =	wrdreg s24  }
0xb6: {  	[dreg:$0x4] =	wrdreg s16  }
0xb7: {  	[dreg:$0x5] =	wrdreg $0x9  }
0xb8: {  	_ =	task.clear_ibuf [dreg:s8], $0x6FFFF;
	_ =	strace $0x9000004C  }
0xb9: {  	s29 =	simm.s32 $0x9;
	_ =	strace $0x8000004E  }
0xba: {  	_ =	swait.ge [sflag:s29], $0x1  }
0xbb: {  	[sflag:s29] =	ssyncadd.s32 $0xFFFFFFFF  }
0xbc: {  	_ =	strace $0x9000004E  }
0xbd: {  	_ =	sfence  }
0xbe: {  	s30 =	sld [smem:$0x0];
	_ =	sdelay $0x2  }
0xbf: {  	s31 =	sshll.u32 s1, $0xD;
	s1 =	sshrl.u32 s1, $0x2  }
0xc0: {  	s3 =	sand.u32 $0x4000, s31;
	s1 =	sadd.s32 s1, s30  }
0xc1: {  	s0 =	sor.u32 s3, s0;
	s1 =	sshll.u32 s1, $0x11  }
0xc2: {  	s0 =	sor.u32 s1, s0  }
0xc3: {  	s0 =	sadd.s32 $0x8F2B, s0  }
0xc4: {  	[sflag:s0] =	ssyncadd.remote.s32 $0x1  }
0xc5: {  	_ =	sfence.sel $0xFFFF  }
0xc6: {  	[dreg:$0x0] =	wrdreg $0xFFFFFFFF;
	(pc) =	sbr.abs _section_cstart, $3  }
0xc7: {  	[dreg:$0x1] =	wrdreg $0xFFFFFFFF  }
0xc8: {  	_ =	task.clear_ibuf [dreg:s8], $0x2FFFF;
	_ =	strace $0x9FFFFFFF  }
0xc9: {  	(tm) =	ssettm $0x7FFFFFFF  }
tec
execute0_lowered:
.L_overlay_start_1:
0x0: {  	(tag) =	ssettag $0x1  }
0x1: {  	s1 =	rddreg [dreg:$0x0]  }
0x2: {  	s4 =	rddreg [dreg:$0x1]  }
0x3: {  	s2 =	srdreg.scid;
	s0 =	stileid.u32  }
0x4: {  	s5 =	rddreg [dreg:$0x2];
	s3 =	simm.s32 $0x0;
	s9 =	simm.s32 $0x1  }
0x5: {  	s10 =	simm.s32 $0x2;
	s6 =	sand.u32 $0x1, s2;
	s7 =	sshll.u32 s0, $0x1  }
0x6: {  	s11 =	simm.s32 $0x0;
	s2 =	rddreg [dreg:$0x3];
	s7 =	sor.u32 s6, s7  }
0x7: {  	[smem:$0x7FF] =	sst s3;
	s6 =	ssub.s32 $0x2, s6;
	s8 =	smul.u32 $0x3000, s7  }
0x8: {  	_ =	strace $0x8000004D;
	s7 =	sshll.u32 s7, $0x4;
	s31 =	sshrl.u32 s6, $0x1  }
0x9: {  	s4 =	sadd.s32 s7, s4;
	s7 =	ssub.s32 s6, s31;
	s8 =	sshrl.u32 s8, $0x3  }
0xa: {  	s4 =	sadd.s32 $0x2600, s4;
	s7 =	smax.u32 s7, $0x1;
	s8 =	sadd.s32 s5, s8  }
0xb: {  	vm0 =	vmmov $0xf;
	v0 =	vlaneseq.u32;
	s5 =	sadd.s32 $0x60000, s8;
	s6 =	sadd.s32 $0x6C000, s8;
	s8 =	simm.s32 $0x3  }
.LBB2_1:
0xc: {  	[tilespmem:s3], [sflag:$0x3] =	stream.linear.gather [hbm4b:s4+s3], $0x80, $0x38;
	[tilespmem:$0x6080] =	vst v63  }
0xd: {  	_ =	swait.ge [sflag:s8], $0x80  }
0xe: {  	[sflag:s8] =	ssyncset.done $0x0  }
0xf: {  	[sflag:s8] =	ssyncadd.s32 $0xFFFFFF80  }
0x10: {  	v1 =	vld.msk [tilespmem:$0x0], $0xf;
	_ =	sdelay $0x4  }
0x11: {  	v1 =	vmul.u32 $0x1800, v1;
	_ =	sdelay $0x1  }
0x12: {  	v1 =	vperm.xlane v1, v0;
	_ =	sdelay $0x4  }
0x13: {  	s12 =	simm.s32 $0x80  }
0x14: {  	[tilespmem:s12], [sflag:$0x1] =	stream.indirect_vreg.gather [hbm4b:s1+s3], $0x1800, v1, vm0, $0x38;
	[tilespmem:$0x6080] =	vst v63  }
0x15: {  	_ =	swait.ge [sflag:s9], $0x6000  }
0x16: {  	s13 =	simm.s32 $0x40;
	[sflag:s9] =	ssyncset.done $0x0  }
0x17: {  	s15 =	sadd.s32 $0x0, s5;
	s14 =	simm.s32 $0x480;
	[sflag:s9] =	ssyncadd.s32 $0xFFFFA000  }
.LBB2_2:
0x18: {  	[hbm4b:s15+s3] =	stream.linear.scatter [tilespmem:s12], [sflag:$0x2], $0x200, $0x38;
	[tilespmem:$0x6080] =	vst v63  }
0x19: {  	s15 =	smov.u32 s13;
	s12 =	smov.u32 s14;
	p0 =	sne.s32 s13, $0x5C0  }
.Ltmp0:
0x1a: {  	s13 =	sadd.s32 $0x40, s13;
	(pc) =	sbr.rel @p0 .LBB2_2-.Ltmp0, $2  }
0x1b: {  	_ =	sdelay $0x2  }
0x1c: {  	s14 =	sadd.s32 $0x400, s14;
	s15 =	sadd.s32 s15, s5  }
0x1d: {  	[hbm4b:s15+s3] =	stream.linear.scatter [tilespmem:s12], [sflag:$0x2], $0x200, $0x38;
	[tilespmem:$0x6080] =	vst v63  }
0x1e: {  	s12 =	simm.s32 $0x280  }
0x1f: {  	s13 =	simm.s32 $0x40;
	s15 =	sadd.s32 $0x0, s6;
	s14 =	simm.s32 $0x680  }
.LBB2_4:
0x20: {  	[hbm4b:s15+s3] =	stream.linear.scatter [tilespmem:s12], [sflag:$0x2], $0x200, $0x38;
	[tilespmem:$0x6080] =	vst v63  }
0x21: {  	s15 =	smov.u32 s13;
	s12 =	smov.u32 s14;
	p0 =	sne.s32 s13, $0x5C0  }
.Ltmp1:
0x22: {  	s13 =	sadd.s32 $0x40, s13;
	(pc) =	sbr.rel @p0 .LBB2_4-.Ltmp1, $2  }
0x23: {  	_ =	sdelay $0x2  }
0x24: {  	s14 =	sadd.s32 $0x400, s14;
	s15 =	sadd.s32 s15, s6  }
0x25: {  	[hbm4b:s15+s3] =	stream.linear.scatter [tilespmem:s12], [sflag:$0x2], $0x200, $0x38;
	[tilespmem:$0x6080] =	vst v63  }
0x26: {  	s11 =	sadd.s32 $0x1, s11  }
0x27: {  	_ =	swait.ge [sflag:s10], $0x3000;
	p0 =	sne.s32 s11, s7  }
.Ltmp2:
0x28: {  	[sflag:s10] =	ssyncset.done $0x0;
	(pc) =	sbr.rel @p0 .LBB2_1-.Ltmp2, $4  }
0x29: {  	[sflag:s10] =	ssyncadd.s32 $0xFFFFD000  }
0x2a: {  	_ =	swait.ge [sflag:s10], $0x3000  }
0x2b: {  	[sflag:s10] =	ssyncset.done $0x0  }
0x2c: {  	[sflag:s10] =	ssyncadd.s32 $0xFFFFD000  }
0x2d: {  	_ =	sfence.sel $0x180000  }
0x2e: {  	[bflag:$0x0] =	sbarrier.arrive $0xFFFF  }
0x2f: {  	p0 =	sne.s32 s0, $0x0;
	_ =	strace $0x9000004D  }
0x30: {  	s0 =	sadd.s32 @!p0 $0x100000, s2;
	[bflag:$0x2] =	sbarrier.arrive $0xFFFF  }
0x31: {  	[sflag:s0] =	ssyncadd.tile.s32 @!p0 $0x1;
	_ =	shalt  }
.Lfunc_end2:
_tile_overlayer_lowered:
.L_overlay_start_2:
0x32: {  	(tag) =	ssettag $0x2  }
0x33: {  	s0 =	rddreg [dreg:$0x0];
	s2 =	stileid.u32  }
0x34: {  	s1 =	rddreg [dreg:$0x1];
	p0 =	sne.s32 s2, $0x0  }
0x35: {  	s3 =	rddreg [dreg:$0x2];
	[bflag:$0x3] =	sbarrier.arrive $0xFFFF;
	s2 =	simm.s32 @!p0 $0x1C03  }
0x36: {  	[timem:s3], [sflag:s2] =	dma.local @!p0 [hbm:s0], s1  }
0x37: {  	s0 =	simm.s32 @!p0 $0x3  }
0x38: {  	_ =	swait.ge @!p0 [sflag:s0], s1  }
0x39: {  	s1 =	ssub.s32 @!p0 $0x0, s1;
	[sflag:s0] =	ssyncset.done @!p0 $0x0  }
0x3a: {  	[sflag:s0] =	ssyncadd.s32 @!p0 s1  }
0x3b: {  	[bflag:$0x3] =	sbarrier.arrive $0xFFFF  }
0x3c: {  	_ =	shalt  }

</sc_bundles>
